<compile_context>
chip_gen: v7x
topology: tpu7x:2x2x1
jax: 0.10.2.dev20260603
libtpu: 0.0.44.dev20260713+nightly
codegen_flags: <defaults>
</compile_context>

<pallas_src>
import functools

import jax
import jax.numpy as jnp
from jax import lax
from jax.experimental import pallas as pl
from jax.experimental.pallas import tpu as pltpu
from jax.experimental.pallas import tpu_sc as plsc

_CHUNK_ROWS = 16
_VEC = 16


def _tc_half(img, row0, half_rows):
    n_chunks = 8
    n_buf = 4
    chunk = half_rows // n_chunks

    def body(img_ref, out_ref, *rest):
        bufs = rest[:n_buf]
        rsems = rest[n_buf:n_buf + n_chunks]
        wsems = rest[n_buf + n_chunks:]

        def rd(c):
            return pltpu.make_async_copy(
                img_ref.at[row0 + c * chunk:row0 + (c + 1) * chunk],
                bufs[c % n_buf], rsems[c])

        def wr(c):
            return pltpu.make_async_copy(
                bufs[c % n_buf],
                out_ref.at[c * chunk:(c + 1) * chunk], wsems[c])

        reads, writes = {}, {}
        reads[0] = rd(0)
        reads[0].start()
        for c in range(n_chunks):
            nxt = c + 1
            if nxt < n_chunks:
                if nxt >= n_buf:
                    writes[nxt - n_buf].wait()
                reads[nxt] = rd(nxt)
                reads[nxt].start()
            reads[c].wait()
            writes[c] = wr(c)
            writes[c].start()
        for c in range(max(0, n_chunks - n_buf), n_chunks):
            writes[c].wait()

    return pl.pallas_call(
        body,
        in_specs=[pl.BlockSpec(memory_space=pl.ANY)],
        out_specs=pl.BlockSpec(memory_space=pl.ANY),
        out_shape=jax.ShapeDtypeStruct((half_rows, img.shape[1]), jnp.float32),
        scratch_shapes=(
            [pltpu.VMEM((chunk, img.shape[1]), jnp.float32)
             for _ in range(n_buf)]
            + [pltpu.SemaphoreType.DMA for _ in range(2 * n_chunks)]
        ),
    )(img)


def _sc_half(img, row0, half_rows):
    nc, ns = 2, 16
    nw = nc * ns
    rows_per = half_rows // nw
    n_chunks = rows_per // _CHUNK_ROWS
    tof_count = img.shape[1]
    mesh = plsc.VectorSubcoreMesh(core_axis_name="c", subcore_axis_name="s")

    @functools.partial(
        pl.kernel,
        mesh=mesh,
        out_type=jax.ShapeDtypeStruct((half_rows, tof_count), jnp.float32),
        scratch_types=[
            pltpu.VMEM((_CHUNK_ROWS, tof_count), jnp.float32),
            pltpu.VMEM((_CHUNK_ROWS, tof_count), jnp.float32),
            pltpu.SemaphoreType.DMA,
            pltpu.SemaphoreType.DMA,
            pltpu.SemaphoreType.DMA,
            pltpu.SemaphoreType.DMA,
        ],
    )
    def k(img_hbm, out_hbm, buf0, buf1, rs0, rs1, ws0, ws1):
        wid = lax.axis_index("s") * nc + lax.axis_index("c")
        base = wid * rows_per
        bufs = (buf0, buf1)
        rsems = (rs0, rs1)
        wsems = (ws0, ws1)

        def rd(c):
            return pltpu.async_copy(
                img_hbm.at[pl.ds(row0 + base + c * _CHUNK_ROWS, _CHUNK_ROWS)],
                bufs[c % 2], rsems[c % 2])

        def wr(c):
            return pltpu.async_copy(
                bufs[c % 2],
                out_hbm.at[pl.ds(base + c * _CHUNK_ROWS, _CHUNK_ROWS)],
                wsems[c % 2])

        reads, writes = {}, {}
        reads[0] = rd(0)
        for c in range(n_chunks):
            nxt = c + 1
            if nxt < n_chunks:
                if nxt >= 2:
                    writes[nxt - 2].wait()
                reads[nxt] = rd(nxt)
            reads[c].wait()
            writes[c] = wr(c)
        writes[n_chunks - 2].wait()
        writes[n_chunks - 1].wait()

    return k(img)


def kernel(img):
    rows = img.shape[0]
    half = rows // 2
    top = _tc_half(img, 0, half)
    bot = _sc_half(img, half, half)
    return top, bot

# --- scband reference (transcript-rebuilt; emitter-appended) ---
"""Pipeline reference for scband-disable-neighbor-tofs-25494925869704 (READ-ONLY COPY).

The authoritative reference and input builder live on the scoring server;
editing this copy changes nothing except your own understanding.
"""

import jax, jax.numpy as jnp
import numpy as np

MIN_DISABLED = 32
MAX_DISABLED = 128


def setup_inputs(seed: int = 0) -> dict:
    key = jax.random.key(seed)
    img = jax.random.normal(key, (16384, 2048), dtype=jnp.float32)
    return {"img": img}


def reference(img):
    # Faithful translation: the torch module picks a random disabled count in
    # [min, max], a random initial TOF, then repeatedly disables the +1 (mod
    # tof_count) neighbor of an already-disabled TOF. Since every extension is
    # current_tof + 1, the disabled set is exactly a contiguous circular block
    # [start, start + count) mod tof_count. We reproduce that with a fixed RNG
    # key (randomness lives inside forward in the original module).
    tof_count = img.shape[-1]
    key = jax.random.key(42)
    k1, k2 = jax.random.split(key)
    count = jax.random.randint(k1, (), MIN_DISABLED, MAX_DISABLED + 1)
    start = jax.random.randint(k2, (), 0, tof_count)
    disabled_mask = ((jnp.arange(tof_count) - start) % tof_count) < count
    img_copy = img  # functional clone
    img_copy = jnp.where(disabled_mask, jnp.float32(0.0), img_copy)
    return img_copy

if __name__ == "__main__":
    import jax
    _d = setup_inputs()
    print(jax.jit(kernel)(*tuple(_d.values())))

</pallas_src>

<mosaic_0001>
#map = affine_map<(d0, d1) -> (0, 0)>
module attributes {stable_mosaic.version = 14 : i64} {
  func.func @k(%arg0: i32, %arg1: i32, %arg2: memref<16384x2048xf32, #tpu.memory_space<hbm>>, %arg3: memref<8192x2048xf32, #tpu.memory_space<hbm>>, %arg4: memref<16x2048xf32, #tpu.memory_space<vmem>>, %arg5: memref<16x2048xf32, #tpu.memory_space<vmem>>, %arg6: memref<!tpu.dma_semaphore, #tpu.memory_space<semaphore_mem>>, %arg7: memref<!tpu.dma_semaphore, #tpu.memory_space<semaphore_mem>>, %arg8: memref<!tpu.dma_semaphore, #tpu.memory_space<semaphore_mem>>, %arg9: memref<!tpu.dma_semaphore, #tpu.memory_space<semaphore_mem>>) attributes {dimension_semantics = [#tpu.dimension_semantics<core_parallel>, #tpu.dimension_semantics<subcore_parallel>], iteration_bounds = array<i64: 2, 16>, scalar_prefetch = 0 : i64, scratch_operands = 6 : i64, tpu.core_type = #tpu.core_type<sc_vector_subcore>, window_params = [{transform_indices = #map}, {transform_indices = #map}]} {
    %mul3A = arith.constant 2 : i32
    %mul3A_0 = arith.muli %arg1, %mul3A : i32
    %add3A = arith.addi %mul3A_0, %arg0 : i32
    %mul3A_1 = arith.constant 256 : i32
    %mul3A_2 = arith.muli %add3A, %mul3A_1 : i32
    %add3A_3 = arith.constant 8192 : i32
    %add3A_4 = arith.addi %add3A_3, %mul3A_2 : i32
    %add3A_5 = arith.constant 0 : i32
    %add3A_6 = arith.addi %add3A_4, %add3A_5 : i32
    %dma_start3A = arith.constant 0 : i32
    %dma_start3A_7 = tpu.memref_slice %arg2[%add3A_6, %dma_start3A] : memref<16384x2048xf32, #tpu.memory_space<hbm>> -> memref<16x2048xf32, #tpu.memory_space<hbm>>
    %dma_start3A_8 = arith.constant 0 : i32
    %dma_start3A_9 = tpu.memref_slice %arg2[%add3A_6, %dma_start3A_8] : memref<16384x2048xf32, #tpu.memory_space<hbm>> -> memref<16x2048xf32, #tpu.memory_space<hbm>>
    tpu.enqueue_dma source(%dma_start3A_9 : memref<16x2048xf32, #tpu.memory_space<hbm>>) target(%arg4 : memref<16x2048xf32, #tpu.memory_space<vmem>>) target_semaphore(%arg6 : memref<!tpu.dma_semaphore, #tpu.memory_space<semaphore_mem>>)
    %add3A_10 = arith.constant 8192 : i32
    %add3A_11 = arith.addi %add3A_10, %mul3A_2 : i32
    %add3A_12 = arith.constant 16 : i32
    %add3A_13 = arith.addi %add3A_11, %add3A_12 : i32
    %dma_start3A_14 = arith.constant 0 : i32
    %dma_start3A_15 = tpu.memref_slice %arg2[%add3A_13, %dma_start3A_14] : memref<16384x2048xf32, #tpu.memory_space<hbm>> -> memref<16x2048xf32, #tpu.memory_space<hbm>>
    %dma_start3A_16 = arith.constant 0 : i32
    %dma_start3A_17 = tpu.memref_slice %arg2[%add3A_13, %dma_start3A_16] : memref<16384x2048xf32, #tpu.memory_space<hbm>> -> memref<16x2048xf32, #tpu.memory_space<hbm>>
    tpu.enqueue_dma source(%dma_start3A_17 : memref<16x2048xf32, #tpu.memory_space<hbm>>) target(%arg5 : memref<16x2048xf32, #tpu.memory_space<vmem>>) target_semaphore(%arg7 : memref<!tpu.dma_semaphore, #tpu.memory_space<semaphore_mem>>)
    %dma_wait3A = arith.constant 0 : i32
    %dma_wait3A_18 = tpu.memref_slice %arg2[%add3A_6, %dma_wait3A] : memref<16384x2048xf32, #tpu.memory_space<hbm>> -> memref<16x2048xf32, #tpu.memory_space<hbm>>
    %dma_wait3A_19 = arith.constant 0 : i32
    %dma_wait3A_20 = tpu.memref_slice %arg2[%add3A_6, %dma_wait3A_19] : memref<16384x2048xf32, #tpu.memory_space<hbm>> -> memref<16x2048xf32, #tpu.memory_space<hbm>>
    tpu.wait_dma2 semaphore(%arg6 : memref<!tpu.dma_semaphore, #tpu.memory_space<semaphore_mem>>) src(%dma_wait3A_20 : memref<16x2048xf32, #tpu.memory_space<hbm>>) dst(%arg4 : memref<16x2048xf32, #tpu.memory_space<vmem>>)
    %add3A_21 = arith.constant 0 : i32
    %add3A_22 = arith.addi %mul3A_2, %add3A_21 : i32
    %dma_start3A_23 = arith.constant 0 : i32
    %dma_start3A_24 = tpu.memref_slice %arg3[%add3A_22, %dma_start3A_23] : memref<8192x2048xf32, #tpu.memory_space<hbm>> -> memref<16x2048xf32, #tpu.memory_space<hbm>>
    %dma_start3A_25 = arith.constant 0 : i32
    %dma_start3A_26 = tpu.memref_slice %arg3[%add3A_22, %dma_start3A_25] : memref<8192x2048xf32, #tpu.memory_space<hbm>> -> memref<16x2048xf32, #tpu.memory_space<hbm>>
    tpu.enqueue_dma source(%arg4 : memref<16x2048xf32, #tpu.memory_space<vmem>>) target(%dma_start3A_26 : memref<16x2048xf32, #tpu.memory_space<hbm>>) target_semaphore(%arg8 : memref<!tpu.dma_semaphore, #tpu.memory_space<semaphore_mem>>)
    %dma_wait3A_27 = arith.constant 0 : i32
    %dma_wait3A_28 = tpu.memref_slice %arg3[%add3A_22, %dma_wait3A_27] : memref<8192x2048xf32, #tpu.memory_space<hbm>> -> memref<16x2048xf32, #tpu.memory_space<hbm>>
    %dma_wait3A_29 = arith.constant 0 : i32
    %dma_wait3A_30 = tpu.memref_slice %arg3[%add3A_22, %dma_wait3A_29] : memref<8192x2048xf32, #tpu.memory_space<hbm>> -> memref<16x2048xf32, #tpu.memory_space<hbm>>
    tpu.wait_dma2 semaphore(%arg8 : memref<!tpu.dma_semaphore, #tpu.memory_space<semaphore_mem>>) src(%arg4 : memref<16x2048xf32, #tpu.memory_space<vmem>>) dst(%dma_wait3A_30 : memref<16x2048xf32, #tpu.memory_space<hbm>>)
    %add3A_31 = arith.constant 8192 : i32
    %add3A_32 = arith.addi %add3A_31, %mul3A_2 : i32
    %add3A_33 = arith.constant 32 : i32
    %add3A_34 = arith.addi %add3A_32, %add3A_33 : i32
    %dma_start3A_35 = arith.constant 0 : i32
    %dma_start3A_36 = tpu.memref_slice %arg2[%add3A_34, %dma_start3A_35] : memref<16384x2048xf32, #tpu.memory_space<hbm>> -> memref<16x2048xf32, #tpu.memory_space<hbm>>
    %dma_start3A_37 = arith.constant 0 : i32
    %dma_start3A_38 = tpu.memref_slice %arg2[%add3A_34, %dma_start3A_37] : memref<16384x2048xf32, #tpu.memory_space<hbm>> -> memref<16x2048xf32, #tpu.memory_space<hbm>>
    tpu.enqueue_dma source(%dma_start3A_38 : memref<16x2048xf32, #tpu.memory_space<hbm>>) target(%arg4 : memref<16x2048xf32, #tpu.memory_space<vmem>>) target_semaphore(%arg6 : memref<!tpu.dma_semaphore, #tpu.memory_space<semaphore_mem>>)
    %dma_wait3A_39 = arith.constant 0 : i32
    %dma_wait3A_40 = tpu.memref_slice %arg2[%add3A_13, %dma_wait3A_39] : memref<16384x2048xf32, #tpu.memory_space<hbm>> -> memref<16x2048xf32, #tpu.memory_space<hbm>>
    %dma_wait3A_41 = arith.constant 0 : i32
    %dma_wait3A_42 = tpu.memref_slice %arg2[%add3A_13, %dma_wait3A_41] : memref<16384x2048xf32, #tpu.memory_space<hbm>> -> memref<16x2048xf32, #tpu.memory_space<hbm>>
    tpu.wait_dma2 semaphore(%arg7 : memref<!tpu.dma_semaphore, #tpu.memory_space<semaphore_mem>>) src(%dma_wait3A_42 : memref<16x2048xf32, #tpu.memory_space<hbm>>) dst(%arg5 : memref<16x2048xf32, #tpu.memory_space<vmem>>)
    %add3A_43 = arith.constant 16 : i32
    %add3A_44 = arith.addi %mul3A_2, %add3A_43 : i32
    %dma_start3A_45 = arith.constant 0 : i32
    %dma_start3A_46 = tpu.memref_slice %arg3[%add3A_44, %dma_start3A_45] : memref<8192x2048xf32, #tpu.memory_space<hbm>> -> memref<16x2048xf32, #tpu.memory_space<hbm>>
    %dma_start3A_47 = arith.constant 0 : i32
    %dma_start3A_48 = tpu.memref_slice %arg3[%add3A_44, %dma_start3A_47] : memref<8192x2048xf32, #tpu.memory_space<hbm>> -> memref<16x2048xf32, #tpu.memory_space<hbm>>
    tpu.enqueue_dma source(%arg5 : memref<16x2048xf32, #tpu.memory_space<vmem>>) target(%dma_start3A_48 : memref<16x2048xf32, #tpu.memory_space<hbm>>) target_semaphore(%arg9 : memref<!tpu.dma_semaphore, #tpu.memory_space<semaphore_mem>>)
    %dma_wait3A_49 = arith.constant 0 : i32
    %dma_wait3A_50 = tpu.memref_slice %arg3[%add3A_44, %dma_wait3A_49] : memref<8192x2048xf32, #tpu.memory_space<hbm>> -> memref<16x2048xf32, #tpu.memory_space<hbm>>
    %dma_wait3A_51 = arith.constant 0 : i32
    %dma_wait3A_52 = tpu.memref_slice %arg3[%add3A_44, %dma_wait3A_51] : memref<8192x2048xf32, #tpu.memory_space<hbm>> -> memref<16x2048xf32, #tpu.memory_space<hbm>>
    tpu.wait_dma2 semaphore(%arg9 : memref<!tpu.dma_semaphore, #tpu.memory_space<semaphore_mem>>) src(%arg5 : memref<16x2048xf32, #tpu.memory_space<vmem>>) dst(%dma_wait3A_52 : memref<16x2048xf32, #tpu.memory_space<hbm>>)
    %add3A_53 = arith.constant 8192 : i32
    %add3A_54 = arith.addi %add3A_53, %mul3A_2 : i32
    %add3A_55 = arith.constant 48 : i32
    %add3A_56 = arith.addi %add3A_54, %add3A_55 : i32
    %dma_start3A_57 = arith.constant 0 : i32
    %dma_start3A_58 = tpu.memref_slice %arg2[%add3A_56, %dma_start3A_57] : memref<16384x2048xf32, #tpu.memory_space<hbm>> -> memref<16x2048xf32, #tpu.memory_space<hbm>>
    %dma_start3A_59 = arith.constant 0 : i32
    %dma_start3A_60 = tpu.memref_slice %arg2[%add3A_56, %dma_start3A_59] : memref<16384x2048xf32, #tpu.memory_space<hbm>> -> memref<16x2048xf32, #tpu.memory_space<hbm>>
    tpu.enqueue_dma source(%dma_start3A_60 : memref<16x2048xf32, #tpu.memory_space<hbm>>) target(%arg5 : memref<16x2048xf32, #tpu.memory_space<vmem>>) target_semaphore(%arg7 : memref<!tpu.dma_semaphore, #tpu.memory_space<semaphore_mem>>)
    %dma_wait3A_61 = arith.constant 0 : i32
    %dma_wait3A_62 = tpu.memref_slice %arg2[%add3A_34, %dma_wait3A_61] : memref<16384x2048xf32, #tpu.memory_space<hbm>> -> memref<16x2048xf32, #tpu.memory_space<hbm>>
    %dma_wait3A_63 = arith.constant 0 : i32
    %dma_wait3A_64 = tpu.memref_slice %arg2[%add3A_34, %dma_wait3A_63] : memref<16384x2048xf32, #tpu.memory_space<hbm>> -> memref<16x2048xf32, #tpu.memory_space<hbm>>
    tpu.wait_dma2 semaphore(%arg6 : memref<!tpu.dma_semaphore, #tpu.memory_space<semaphore_mem>>) src(%dma_wait3A_64 : memref<16x2048xf32, #tpu.memory_space<hbm>>) dst(%arg4 : memref<16x2048xf32, #tpu.memory_space<vmem>>)
    %add3A_65 = arith.constant 32 : i32
    %add3A_66 = arith.addi %mul3A_2, %add3A_65 : i32
    %dma_start3A_67 = arith.constant 0 : i32
    %dma_start3A_68 = tpu.memref_slice %arg3[%add3A_66, %dma_start3A_67] : memref<8192x2048xf32, #tpu.memory_space<hbm>> -> memref<16x2048xf32, #tpu.memory_space<hbm>>
    %dma_start3A_69 = arith.constant 0 : i32
    %dma_start3A_70 = tpu.memref_slice %arg3[%add3A_66, %dma_start3A_69] : memref<8192x2048xf32, #tpu.memory_space<hbm>> -> memref<16x2048xf32, #tpu.memory_space<hbm>>
    tpu.enqueue_dma source(%arg4 : memref<16x2048xf32, #tpu.memory_space<vmem>>) target(%dma_start3A_70 : memref<16x2048xf32, #tpu.memory_space<hbm>>) target_semaphore(%arg8 : memref<!tpu.dma_semaphore, #tpu.memory_space<semaphore_mem>>)
    %dma_wait3A_71 = arith.constant 0 : i32
    %dma_wait3A_72 = tpu.memref_slice %arg3[%add3A_66, %dma_wait3A_71] : memref<8192x2048xf32, #tpu.memory_space<hbm>> -> memref<16x2048xf32, #tpu.memory_space<hbm>>
    %dma_wait3A_73 = arith.constant 0 : i32
    %dma_wait3A_74 = tpu.memref_slice %arg3[%add3A_66, %dma_wait3A_73] : memref<8192x2048xf32, #tpu.memory_space<hbm>> -> memref<16x2048xf32, #tpu.memory_space<hbm>>
    tpu.wait_dma2 semaphore(%arg8 : memref<!tpu.dma_semaphore, #tpu.memory_space<semaphore_mem>>) src(%arg4 : memref<16x2048xf32, #tpu.memory_space<vmem>>) dst(%dma_wait3A_74 : memref<16x2048xf32, #tpu.memory_space<hbm>>)
    %add3A_75 = arith.constant 8192 : i32
    %add3A_76 = arith.addi %add3A_75, %mul3A_2 : i32
    %add3A_77 = arith.constant 64 : i32
    %add3A_78 = arith.addi %add3A_76, %add3A_77 : i32
    %dma_start3A_79 = arith.constant 0 : i32
    %dma_start3A_80 = tpu.memref_slice %arg2[%add3A_78, %dma_start3A_79] : memref<16384x2048xf32, #tpu.memory_space<hbm>> -> memref<16x2048xf32, #tpu.memory_space<hbm>>
    %dma_start3A_81 = arith.constant 0 : i32
    %dma_start3A_82 = tpu.memref_slice %arg2[%add3A_78, %dma_start3A_81] : memref<16384x2048xf32, #tpu.memory_space<hbm>> -> memref<16x2048xf32, #tpu.memory_space<hbm>>
    tpu.enqueue_dma source(%dma_start3A_82 : memref<16x2048xf32, #tpu.memory_space<hbm>>) target(%arg4 : memref<16x2048xf32, #tpu.memory_space<vmem>>) target_semaphore(%arg6 : memref<!tpu.dma_semaphore, #tpu.memory_space<semaphore_mem>>)
    %dma_wait3A_83 = arith.constant 0 : i32
    %dma_wait3A_84 = tpu.memref_slice %arg2[%add3A_56, %dma_wait3A_83] : memref<16384x2048xf32, #tpu.memory_space<hbm>> -> memref<16x2048xf32, #tpu.memory_space<hbm>>
    %dma_wait3A_85 = arith.constant 0 : i32
    %dma_wait3A_86 = tpu.memref_slice %arg2[%add3A_56, %dma_wait3A_85] : memref<16384x2048xf32, #tpu.memory_space<hbm>> -> memref<16x2048xf32, #tpu.memory_space<hbm>>
    tpu.wait_dma2 semaphore(%arg7 : memref<!tpu.dma_semaphore, #tpu.memory_space<semaphore_mem>>) src(%dma_wait3A_86 : memref<16x2048xf32, #tpu.memory_space<hbm>>) dst(%arg5 : memref<16x2048xf32, #tpu.memory_space<vmem>>)
    %add3A_87 = arith.constant 48 : i32
    %add3A_88 = arith.addi %mul3A_2, %add3A_87 : i32
    %dma_start3A_89 = arith.constant 0 : i32
    %dma_start3A_90 = tpu.memref_slice %arg3[%add3A_88, %dma_start3A_89] : memref<8192x2048xf32, #tpu.memory_space<hbm>> -> memref<16x2048xf32, #tpu.memory_space<hbm>>
    %dma_start3A_91 = arith.constant 0 : i32
    %dma_start3A_92 = tpu.memref_slice %arg3[%add3A_88, %dma_start3A_91] : memref<8192x2048xf32, #tpu.memory_space<hbm>> -> memref<16x2048xf32, #tpu.memory_space<hbm>>
    tpu.enqueue_dma source(%arg5 : memref<16x2048xf32, #tpu.memory_space<vmem>>) target(%dma_start3A_92 : memref<16x2048xf32, #tpu.memory_space<hbm>>) target_semaphore(%arg9 : memref<!tpu.dma_semaphore, #tpu.memory_space<semaphore_mem>>)
    %dma_wait3A_93 = arith.constant 0 : i32
    %dma_wait3A_94 = tpu.memref_slice %arg3[%add3A_88, %dma_wait3A_93] : memref<8192x2048xf32, #tpu.memory_space<hbm>> -> memref<16x2048xf32, #tpu.memory_space<hbm>>
    %dma_wait3A_95 = arith.constant 0 : i32
    %dma_wait3A_96 = tpu.memref_slice %arg3[%add3A_88, %dma_wait3A_95] : memref<8192x2048xf32, #tpu.memory_space<hbm>> -> memref<16x2048xf32, #tpu.memory_space<hbm>>
    tpu.wait_dma2 semaphore(%arg9 : memref<!tpu.dma_semaphore, #tpu.memory_space<semaphore_mem>>) src(%arg5 : memref<16x2048xf32, #tpu.memory_space<vmem>>) dst(%dma_wait3A_96 : memref<16x2048xf32, #tpu.memory_space<hbm>>)
    %add3A_97 = arith.constant 8192 : i32
    %add3A_98 = arith.addi %add3A_97, %mul3A_2 : i32
    %add3A_99 = arith.constant 80 : i32
    %add3A_100 = arith.addi %add3A_98, %add3A_99 : i32
    %dma_start3A_101 = arith.constant 0 : i32
    %dma_start3A_102 = tpu.memref_slice %arg2[%add3A_100, %dma_start3A_101] : memref<16384x2048xf32, #tpu.memory_space<hbm>> -> memref<16x2048xf32, #tpu.memory_space<hbm>>
    %dma_start3A_103 = arith.constant 0 : i32
    %dma_start3A_104 = tpu.memref_slice %arg2[%add3A_100, %dma_start3A_103] : memref<16384x2048xf32, #tpu.memory_space<hbm>> -> memref<16x2048xf32, #tpu.memory_space<hbm>>
    tpu.enqueue_dma source(%dma_start3A_104 : memref<16x2048xf32, #tpu.memory_space<hbm>>) target(%arg5 : memref<16x2048xf32, #tpu.memory_space<vmem>>) target_semaphore(%arg7 : memref<!tpu.dma_semaphore, #tpu.memory_space<semaphore_mem>>)
    %dma_wait3A_105 = arith.constant 0 : i32
    %dma_wait3A_106 = tpu.memref_slice %arg2[%add3A_78, %dma_wait3A_105] : memref<16384x2048xf32, #tpu.memory_space<hbm>> -> memref<16x2048xf32, #tpu.memory_space<hbm>>
    %dma_wait3A_107 = arith.constant 0 : i32
    %dma_wait3A_108 = tpu.memref_slice %arg2[%add3A_78, %dma_wait3A_107] : memref<16384x2048xf32, #tpu.memory_space<hbm>> -> memref<16x2048xf32, #tpu.memory_space<hbm>>
    tpu.wait_dma2 semaphore(%arg6 : memref<!tpu.dma_semaphore, #tpu.memory_space<semaphore_mem>>) src(%dma_wait3A_108 : memref<16x2048xf32, #tpu.memory_space<hbm>>) dst(%arg4 : memref<16x2048xf32, #tpu.memory_space<vmem>>)
    %add3A_109 = arith.constant 64 : i32
    %add3A_110 = arith.addi %mul3A_2, %add3A_109 : i32
    %dma_start3A_111 = arith.constant 0 : i32
    %dma_start3A_112 = tpu.memref_slice %arg3[%add3A_110, %dma_start3A_111] : memref<8192x2048xf32, #tpu.memory_space<hbm>> -> memref<16x2048xf32, #tpu.memory_space<hbm>>
    %dma_start3A_113 = arith.constant 0 : i32
    %dma_start3A_114 = tpu.memref_slice %arg3[%add3A_110, %dma_start3A_113] : memref<8192x2048xf32, #tpu.memory_space<hbm>> -> memref<16x2048xf32, #tpu.memory_space<hbm>>
    tpu.enqueue_dma source(%arg4 : memref<16x2048xf32, #tpu.memory_space<vmem>>) target(%dma_start3A_114 : memref<16x2048xf32, #tpu.memory_space<hbm>>) target_semaphore(%arg8 : memref<!tpu.dma_semaphore, #tpu.memory_space<semaphore_mem>>)
    %dma_wait3A_115 = arith.constant 0 : i32
    %dma_wait3A_116 = tpu.memref_slice %arg3[%add3A_110, %dma_wait3A_115] : memref<8192x2048xf32, #tpu.memory_space<hbm>> -> memref<16x2048xf32, #tpu.memory_space<hbm>>
    %dma_wait3A_117 = arith.constant 0 : i32
    %dma_wait3A_118 = tpu.memref_slice %arg3[%add3A_110, %dma_wait3A_117] : memref<8192x2048xf32, #tpu.memory_space<hbm>> -> memref<16x2048xf32, #tpu.memory_space<hbm>>
    tpu.wait_dma2 semaphore(%arg8 : memref<!tpu.dma_semaphore, #tpu.memory_space<semaphore_mem>>) src(%arg4 : memref<16x2048xf32, #tpu.memory_space<vmem>>) dst(%dma_wait3A_118 : memref<16x2048xf32, #tpu.memory_space<hbm>>)
    %add3A_119 = arith.constant 8192 : i32
    %add3A_120 = arith.addi %add3A_119, %mul3A_2 : i32
    %add3A_121 = arith.constant 96 : i32
    %add3A_122 = arith.addi %add3A_120, %add3A_121 : i32
    %dma_start3A_123 = arith.constant 0 : i32
    %dma_start3A_124 = tpu.memref_slice %arg2[%add3A_122, %dma_start3A_123] : memref<16384x2048xf32, #tpu.memory_space<hbm>> -> memref<16x2048xf32, #tpu.memory_space<hbm>>
    %dma_start3A_125 = arith.constant 0 : i32
    %dma_start3A_126 = tpu.memref_slice %arg2[%add3A_122, %dma_start3A_125] : memref<16384x2048xf32, #tpu.memory_space<hbm>> -> memref<16x2048xf32, #tpu.memory_space<hbm>>
    tpu.enqueue_dma source(%dma_start3A_126 : memref<16x2048xf32, #tpu.memory_space<hbm>>) target(%arg4 : memref<16x2048xf32, #tpu.memory_space<vmem>>) target_semaphore(%arg6 : memref<!tpu.dma_semaphore, #tpu.memory_space<semaphore_mem>>)
    %dma_wait3A_127 = arith.constant 0 : i32
    %dma_wait3A_128 = tpu.memref_slice %arg2[%add3A_100, %dma_wait3A_127] : memref<16384x2048xf32, #tpu.memory_space<hbm>> -> memref<16x2048xf32, #tpu.memory_space<hbm>>
    %dma_wait3A_129 = arith.constant 0 : i32
    %dma_wait3A_130 = tpu.memref_slice %arg2[%add3A_100, %dma_wait3A_129] : memref<16384x2048xf32, #tpu.memory_space<hbm>> -> memref<16x2048xf32, #tpu.memory_space<hbm>>
    tpu.wait_dma2 semaphore(%arg7 : memref<!tpu.dma_semaphore, #tpu.memory_space<semaphore_mem>>) src(%dma_wait3A_130 : memref<16x2048xf32, #tpu.memory_space<hbm>>) dst(%arg5 : memref<16x2048xf32, #tpu.memory_space<vmem>>)
    %add3A_131 = arith.constant 80 : i32
    %add3A_132 = arith.addi %mul3A_2, %add3A_131 : i32
    %dma_start3A_133 = arith.constant 0 : i32
    %dma_start3A_134 = tpu.memref_slice %arg3[%add3A_132, %dma_start3A_133] : memref<8192x2048xf32, #tpu.memory_space<hbm>> -> memref<16x2048xf32, #tpu.memory_space<hbm>>
    %dma_start3A_135 = arith.constant 0 : i32
    %dma_start3A_136 = tpu.memref_slice %arg3[%add3A_132, %dma_start3A_135] : memref<8192x2048xf32, #tpu.memory_space<hbm>> -> memref<16x2048xf32, #tpu.memory_space<hbm>>
    tpu.enqueue_dma source(%arg5 : memref<16x2048xf32, #tpu.memory_space<vmem>>) target(%dma_start3A_136 : memref<16x2048xf32, #tpu.memory_space<hbm>>) target_semaphore(%arg9 : memref<!tpu.dma_semaphore, #tpu.memory_space<semaphore_mem>>)
    %dma_wait3A_137 = arith.constant 0 : i32
    %dma_wait3A_138 = tpu.memref_slice %arg3[%add3A_132, %dma_wait3A_137] : memref<8192x2048xf32, #tpu.memory_space<hbm>> -> memref<16x2048xf32, #tpu.memory_space<hbm>>
    %dma_wait3A_139 = arith.constant 0 : i32
    %dma_wait3A_140 = tpu.memref_slice %arg3[%add3A_132, %dma_wait3A_139] : memref<8192x2048xf32, #tpu.memory_space<hbm>> -> memref<16x2048xf32, #tpu.memory_space<hbm>>
    tpu.wait_dma2 semaphore(%arg9 : memref<!tpu.dma_semaphore, #tpu.memory_space<semaphore_mem>>) src(%arg5 : memref<16x2048xf32, #tpu.memory_space<vmem>>) dst(%dma_wait3A_140 : memref<16x2048xf32, #tpu.memory_space<hbm>>)
    %add3A_141 = arith.constant 8192 : i32
    %add3A_142 = arith.addi %add3A_141, %mul3A_2 : i32
    %add3A_143 = arith.constant 112 : i32
    %add3A_144 = arith.addi %add3A_142, %add3A_143 : i32
    %dma_start3A_145 = arith.constant 0 : i32
    %dma_start3A_146 = tpu.memref_slice %arg2[%add3A_144, %dma_start3A_145] : memref<16384x2048xf32, #tpu.memory_space<hbm>> -> memref<16x2048xf32, #tpu.memory_space<hbm>>
    %dma_start3A_147 = arith.constant 0 : i32
    %dma_start3A_148 = tpu.memref_slice %arg2[%add3A_144, %dma_start3A_147] : memref<16384x2048xf32, #tpu.memory_space<hbm>> -> memref<16x2048xf32, #tpu.memory_space<hbm>>
    tpu.enqueue_dma source(%dma_start3A_148 : memref<16x2048xf32, #tpu.memory_space<hbm>>) target(%arg5 : memref<16x2048xf32, #tpu.memory_space<vmem>>) target_semaphore(%arg7 : memref<!tpu.dma_semaphore, #tpu.memory_space<semaphore_mem>>)
    %dma_wait3A_149 = arith.constant 0 : i32
    %dma_wait3A_150 = tpu.memref_slice %arg2[%add3A_122, %dma_wait3A_149] : memref<16384x2048xf32, #tpu.memory_space<hbm>> -> memref<16x2048xf32, #tpu.memory_space<hbm>>
    %dma_wait3A_151 = arith.constant 0 : i32
    %dma_wait3A_152 = tpu.memref_slice %arg2[%add3A_122, %dma_wait3A_151] : memref<16384x2048xf32, #tpu.memory_space<hbm>> -> memref<16x2048xf32, #tpu.memory_space<hbm>>
    tpu.wait_dma2 semaphore(%arg6 : memref<!tpu.dma_semaphore, #tpu.memory_space<semaphore_mem>>) src(%dma_wait3A_152 : memref<16x2048xf32, #tpu.memory_space<hbm>>) dst(%arg4 : memref<16x2048xf32, #tpu.memory_space<vmem>>)
    %add3A_153 = arith.constant 96 : i32
    %add3A_154 = arith.addi %mul3A_2, %add3A_153 : i32
    %dma_start3A_155 = arith.constant 0 : i32
    %dma_start3A_156 = tpu.memref_slice %arg3[%add3A_154, %dma_start3A_155] : memref<8192x2048xf32, #tpu.memory_space<hbm>> -> memref<16x2048xf32, #tpu.memory_space<hbm>>
    %dma_start3A_157 = arith.constant 0 : i32
    %dma_start3A_158 = tpu.memref_slice %arg3[%add3A_154, %dma_start3A_157] : memref<8192x2048xf32, #tpu.memory_space<hbm>> -> memref<16x2048xf32, #tpu.memory_space<hbm>>
    tpu.enqueue_dma source(%arg4 : memref<16x2048xf32, #tpu.memory_space<vmem>>) target(%dma_start3A_158 : memref<16x2048xf32, #tpu.memory_space<hbm>>) target_semaphore(%arg8 : memref<!tpu.dma_semaphore, #tpu.memory_space<semaphore_mem>>)
    %dma_wait3A_159 = arith.constant 0 : i32
    %dma_wait3A_160 = tpu.memref_slice %arg3[%add3A_154, %dma_wait3A_159] : memref<8192x2048xf32, #tpu.memory_space<hbm>> -> memref<16x2048xf32, #tpu.memory_space<hbm>>
    %dma_wait3A_161 = arith.constant 0 : i32
    %dma_wait3A_162 = tpu.memref_slice %arg3[%add3A_154, %dma_wait3A_161] : memref<8192x2048xf32, #tpu.memory_space<hbm>> -> memref<16x2048xf32, #tpu.memory_space<hbm>>
    tpu.wait_dma2 semaphore(%arg8 : memref<!tpu.dma_semaphore, #tpu.memory_space<semaphore_mem>>) src(%arg4 : memref<16x2048xf32, #tpu.memory_space<vmem>>) dst(%dma_wait3A_162 : memref<16x2048xf32, #tpu.memory_space<hbm>>)
    %add3A_163 = arith.constant 8192 : i32
    %add3A_164 = arith.addi %add3A_163, %mul3A_2 : i32
    %add3A_165 = arith.constant 128 : i32
    %add3A_166 = arith.addi %add3A_164, %add3A_165 : i32
    %dma_start3A_167 = arith.constant 0 : i32
    %dma_start3A_168 = tpu.memref_slice %arg2[%add3A_166, %dma_start3A_167] : memref<16384x2048xf32, #tpu.memory_space<hbm>> -> memref<16x2048xf32, #tpu.memory_space<hbm>>
    %dma_start3A_169 = arith.constant 0 : i32
    %dma_start3A_170 = tpu.memref_slice %arg2[%add3A_166, %dma_start3A_169] : memref<16384x2048xf32, #tpu.memory_space<hbm>> -> memref<16x2048xf32, #tpu.memory_space<hbm>>
    tpu.enqueue_dma source(%dma_start3A_170 : memref<16x2048xf32, #tpu.memory_space<hbm>>) target(%arg4 : memref<16x2048xf32, #tpu.memory_space<vmem>>) target_semaphore(%arg6 : memref<!tpu.dma_semaphore, #tpu.memory_space<semaphore_mem>>)
    %dma_wait3A_171 = arith.constant 0 : i32
    %dma_wait3A_172 = tpu.memref_slice %arg2[%add3A_144, %dma_wait3A_171] : memref<16384x2048xf32, #tpu.memory_space<hbm>> -> memref<16x2048xf32, #tpu.memory_space<hbm>>
    %dma_wait3A_173 = arith.constant 0 : i32
    %dma_wait3A_174 = tpu.memref_slice %arg2[%add3A_144, %dma_wait3A_173] : memref<16384x2048xf32, #tpu.memory_space<hbm>> -> memref<16x2048xf32, #tpu.memory_space<hbm>>
    tpu.wait_dma2 semaphore(%arg7 : memref<!tpu.dma_semaphore, #tpu.memory_space<semaphore_mem>>) src(%dma_wait3A_174 : memref<16x2048xf32, #tpu.memory_space<hbm>>) dst(%arg5 : memref<16x2048xf32, #tpu.memory_space<vmem>>)
    %add3A_175 = arith.constant 112 : i32
    %add3A_176 = arith.addi %mul3A_2, %add3A_175 : i32
    %dma_start3A_177 = arith.constant 0 : i32
    %dma_start3A_178 = tpu.memref_slice %arg3[%add3A_176, %dma_start3A_177] : memref<8192x2048xf32, #tpu.memory_space<hbm>> -> memref<16x2048xf32, #tpu.memory_space<hbm>>
    %dma_start3A_179 = arith.constant 0 : i32
    %dma_start3A_180 = tpu.memref_slice %arg3[%add3A_176, %dma_start3A_179] : memref<8192x2048xf32, #tpu.memory_space<hbm>> -> memref<16x2048xf32, #tpu.memory_space<hbm>>
    tpu.enqueue_dma source(%arg5 : memref<16x2048xf32, #tpu.memory_space<vmem>>) target(%dma_start3A_180 : memref<16x2048xf32, #tpu.memory_space<hbm>>) target_semaphore(%arg9 : memref<!tpu.dma_semaphore, #tpu.memory_space<semaphore_mem>>)
    %dma_wait3A_181 = arith.constant 0 : i32
    %dma_wait3A_182 = tpu.memref_slice %arg3[%add3A_176, %dma_wait3A_181] : memref<8192x2048xf32, #tpu.memory_space<hbm>> -> memref<16x2048xf32, #tpu.memory_space<hbm>>
    %dma_wait3A_183 = arith.constant 0 : i32
    %dma_wait3A_184 = tpu.memref_slice %arg3[%add3A_176, %dma_wait3A_183] : memref<8192x2048xf32, #tpu.memory_space<hbm>> -> memref<16x2048xf32, #tpu.memory_space<hbm>>
    tpu.wait_dma2 semaphore(%arg9 : memref<!tpu.dma_semaphore, #tpu.memory_space<semaphore_mem>>) src(%arg5 : memref<16x2048xf32, #tpu.memory_space<vmem>>) dst(%dma_wait3A_184 : memref<16x2048xf32, #tpu.memory_space<hbm>>)
    %add3A_185 = arith.constant 8192 : i32
    %add3A_186 = arith.addi %add3A_185, %mul3A_2 : i32
    %add3A_187 = arith.constant 144 : i32
    %add3A_188 = arith.addi %add3A_186, %add3A_187 : i32
    %dma_start3A_189 = arith.constant 0 : i32
    %dma_start3A_190 = tpu.memref_slice %arg2[%add3A_188, %dma_start3A_189] : memref<16384x2048xf32, #tpu.memory_space<hbm>> -> memref<16x2048xf32, #tpu.memory_space<hbm>>
    %dma_start3A_191 = arith.constant 0 : i32
    %dma_start3A_192 = tpu.memref_slice %arg2[%add3A_188, %dma_start3A_191] : memref<16384x2048xf32, #tpu.memory_space<hbm>> -> memref<16x2048xf32, #tpu.memory_space<hbm>>
    tpu.enqueue_dma source(%dma_start3A_192 : memref<16x2048xf32, #tpu.memory_space<hbm>>) target(%arg5 : memref<16x2048xf32, #tpu.memory_space<vmem>>) target_semaphore(%arg7 : memref<!tpu.dma_semaphore, #tpu.memory_space<semaphore_mem>>)
    %dma_wait3A_193 = arith.constant 0 : i32
    %dma_wait3A_194 = tpu.memref_slice %arg2[%add3A_166, %dma_wait3A_193] : memref<16384x2048xf32, #tpu.memory_space<hbm>> -> memref<16x2048xf32, #tpu.memory_space<hbm>>
    %dma_wait3A_195 = arith.constant 0 : i32
    %dma_wait3A_196 = tpu.memref_slice %arg2[%add3A_166, %dma_wait3A_195] : memref<16384x2048xf32, #tpu.memory_space<hbm>> -> memref<16x2048xf32, #tpu.memory_space<hbm>>
    tpu.wait_dma2 semaphore(%arg6 : memref<!tpu.dma_semaphore, #tpu.memory_space<semaphore_mem>>) src(%dma_wait3A_196 : memref<16x2048xf32, #tpu.memory_space<hbm>>) dst(%arg4 : memref<16x2048xf32, #tpu.memory_space<vmem>>)
    %add3A_197 = arith.constant 128 : i32
    %add3A_198 = arith.addi %mul3A_2, %add3A_197 : i32
    %dma_start3A_199 = arith.constant 0 : i32
    %dma_start3A_200 = tpu.memref_slice %arg3[%add3A_198, %dma_start3A_199] : memref<8192x2048xf32, #tpu.memory_space<hbm>> -> memref<16x2048xf32, #tpu.memory_space<hbm>>
    %dma_start3A_201 = arith.constant 0 : i32
    %dma_start3A_202 = tpu.memref_slice %arg3[%add3A_198, %dma_start3A_201] : memref<8192x2048xf32, #tpu.memory_space<hbm>> -> memref<16x2048xf32, #tpu.memory_space<hbm>>
    tpu.enqueue_dma source(%arg4 : memref<16x2048xf32, #tpu.memory_space<vmem>>) target(%dma_start3A_202 : memref<16x2048xf32, #tpu.memory_space<hbm>>) target_semaphore(%arg8 : memref<!tpu.dma_semaphore, #tpu.memory_space<semaphore_mem>>)
    %dma_wait3A_203 = arith.constant 0 : i32
    %dma_wait3A_204 = tpu.memref_slice %arg3[%add3A_198, %dma_wait3A_203] : memref<8192x2048xf32, #tpu.memory_space<hbm>> -> memref<16x2048xf32, #tpu.memory_space<hbm>>
    %dma_wait3A_205 = arith.constant 0 : i32
    %dma_wait3A_206 = tpu.memref_slice %arg3[%add3A_198, %dma_wait3A_205] : memref<8192x2048xf32, #tpu.memory_space<hbm>> -> memref<16x2048xf32, #tpu.memory_space<hbm>>
    tpu.wait_dma2 semaphore(%arg8 : memref<!tpu.dma_semaphore, #tpu.memory_space<semaphore_mem>>) src(%arg4 : memref<16x2048xf32, #tpu.memory_space<vmem>>) dst(%dma_wait3A_206 : memref<16x2048xf32, #tpu.memory_space<hbm>>)
    %add3A_207 = arith.constant 8192 : i32
    %add3A_208 = arith.addi %add3A_207, %mul3A_2 : i32
    %add3A_209 = arith.constant 160 : i32
    %add3A_210 = arith.addi %add3A_208, %add3A_209 : i32
    %dma_start3A_211 = arith.constant 0 : i32
    %dma_start3A_212 = tpu.memref_slice %arg2[%add3A_210, %dma_start3A_211] : memref<16384x2048xf32, #tpu.memory_space<hbm>> -> memref<16x2048xf32, #tpu.memory_space<hbm>>
    %dma_start3A_213 = arith.constant 0 : i32
    %dma_start3A_214 = tpu.memref_slice %arg2[%add3A_210, %dma_start3A_213] : memref<16384x2048xf32, #tpu.memory_space<hbm>> -> memref<16x2048xf32, #tpu.memory_space<hbm>>
    tpu.enqueue_dma source(%dma_start3A_214 : memref<16x2048xf32, #tpu.memory_space<hbm>>) target(%arg4 : memref<16x2048xf32, #tpu.memory_space<vmem>>) target_semaphore(%arg6 : memref<!tpu.dma_semaphore, #tpu.memory_space<semaphore_mem>>)
    %dma_wait3A_215 = arith.constant 0 : i32
    %dma_wait3A_216 = tpu.memref_slice %arg2[%add3A_188, %dma_wait3A_215] : memref<16384x2048xf32, #tpu.memory_space<hbm>> -> memref<16x2048xf32, #tpu.memory_space<hbm>>
    %dma_wait3A_217 = arith.constant 0 : i32
    %dma_wait3A_218 = tpu.memref_slice %arg2[%add3A_188, %dma_wait3A_217] : memref<16384x2048xf32, #tpu.memory_space<hbm>> -> memref<16x2048xf32, #tpu.memory_space<hbm>>
    tpu.wait_dma2 semaphore(%arg7 : memref<!tpu.dma_semaphore, #tpu.memory_space<semaphore_mem>>) src(%dma_wait3A_218 : memref<16x2048xf32, #tpu.memory_space<hbm>>) dst(%arg5 : memref<16x2048xf32, #tpu.memory_space<vmem>>)
    %add3A_219 = arith.constant 144 : i32
    %add3A_220 = arith.addi %mul3A_2, %add3A_219 : i32
    %dma_start3A_221 = arith.constant 0 : i32
    %dma_start3A_222 = tpu.memref_slice %arg3[%add3A_220, %dma_start3A_221] : memref<8192x2048xf32, #tpu.memory_space<hbm>> -> memref<16x2048xf32, #tpu.memory_space<hbm>>
    %dma_start3A_223 = arith.constant 0 : i32
    %dma_start3A_224 = tpu.memref_slice %arg3[%add3A_220, %dma_start3A_223] : memref<8192x2048xf32, #tpu.memory_space<hbm>> -> memref<16x2048xf32, #tpu.memory_space<hbm>>
    tpu.enqueue_dma source(%arg5 : memref<16x2048xf32, #tpu.memory_space<vmem>>) target(%dma_start3A_224 : memref<16x2048xf32, #tpu.memory_space<hbm>>) target_semaphore(%arg9 : memref<!tpu.dma_semaphore, #tpu.memory_space<semaphore_mem>>)
    %dma_wait3A_225 = arith.constant 0 : i32
    %dma_wait3A_226 = tpu.memref_slice %arg3[%add3A_220, %dma_wait3A_225] : memref<8192x2048xf32, #tpu.memory_space<hbm>> -> memref<16x2048xf32, #tpu.memory_space<hbm>>
    %dma_wait3A_227 = arith.constant 0 : i32
    %dma_wait3A_228 = tpu.memref_slice %arg3[%add3A_220, %dma_wait3A_227] : memref<8192x2048xf32, #tpu.memory_space<hbm>> -> memref<16x2048xf32, #tpu.memory_space<hbm>>
    tpu.wait_dma2 semaphore(%arg9 : memref<!tpu.dma_semaphore, #tpu.memory_space<semaphore_mem>>) src(%arg5 : memref<16x2048xf32, #tpu.memory_space<vmem>>) dst(%dma_wait3A_228 : memref<16x2048xf32, #tpu.memory_space<hbm>>)
    %add3A_229 = arith.constant 8192 : i32
    %add3A_230 = arith.addi %add3A_229, %mul3A_2 : i32
    %add3A_231 = arith.constant 176 : i32
    %add3A_232 = arith.addi %add3A_230, %add3A_231 : i32
    %dma_start3A_233 = arith.constant 0 : i32
    %dma_start3A_234 = tpu.memref_slice %arg2[%add3A_232, %dma_start3A_233] : memref<16384x2048xf32, #tpu.memory_space<hbm>> -> memref<16x2048xf32, #tpu.memory_space<hbm>>
    %dma_start3A_235 = arith.constant 0 : i32
    %dma_start3A_236 = tpu.memref_slice %arg2[%add3A_232, %dma_start3A_235] : memref<16384x2048xf32, #tpu.memory_space<hbm>> -> memref<16x2048xf32, #tpu.memory_space<hbm>>
    tpu.enqueue_dma source(%dma_start3A_236 : memref<16x2048xf32, #tpu.memory_space<hbm>>) target(%arg5 : memref<16x2048xf32, #tpu.memory_space<vmem>>) target_semaphore(%arg7 : memref<!tpu.dma_semaphore, #tpu.memory_space<semaphore_mem>>)
    %dma_wait3A_237 = arith.constant 0 : i32
    %dma_wait3A_238 = tpu.memref_slice %arg2[%add3A_210, %dma_wait3A_237] : memref<16384x2048xf32, #tpu.memory_space<hbm>> -> memref<16x2048xf32, #tpu.memory_space<hbm>>
    %dma_wait3A_239 = arith.constant 0 : i32
    %dma_wait3A_240 = tpu.memref_slice %arg2[%add3A_210, %dma_wait3A_239] : memref<16384x2048xf32, #tpu.memory_space<hbm>> -> memref<16x2048xf32, #tpu.memory_space<hbm>>
    tpu.wait_dma2 semaphore(%arg6 : memref<!tpu.dma_semaphore, #tpu.memory_space<semaphore_mem>>) src(%dma_wait3A_240 : memref<16x2048xf32, #tpu.memory_space<hbm>>) dst(%arg4 : memref<16x2048xf32, #tpu.memory_space<vmem>>)
    %add3A_241 = arith.constant 160 : i32
    %add3A_242 = arith.addi %mul3A_2, %add3A_241 : i32
    %dma_start3A_243 = arith.constant 0 : i32
    %dma_start3A_244 = tpu.memref_slice %arg3[%add3A_242, %dma_start3A_243] : memref<8192x2048xf32, #tpu.memory_space<hbm>> -> memref<16x2048xf32, #tpu.memory_space<hbm>>
    %dma_start3A_245 = arith.constant 0 : i32
    %dma_start3A_246 = tpu.memref_slice %arg3[%add3A_242, %dma_start3A_245] : memref<8192x2048xf32, #tpu.memory_space<hbm>> -> memref<16x2048xf32, #tpu.memory_space<hbm>>
    tpu.enqueue_dma source(%arg4 : memref<16x2048xf32, #tpu.memory_space<vmem>>) target(%dma_start3A_246 : memref<16x2048xf32, #tpu.memory_space<hbm>>) target_semaphore(%arg8 : memref<!tpu.dma_semaphore, #tpu.memory_space<semaphore_mem>>)
    %dma_wait3A_247 = arith.constant 0 : i32
    %dma_wait3A_248 = tpu.memref_slice %arg3[%add3A_242, %dma_wait3A_247] : memref<8192x2048xf32, #tpu.memory_space<hbm>> -> memref<16x2048xf32, #tpu.memory_space<hbm>>
    %dma_wait3A_249 = arith.constant 0 : i32
    %dma_wait3A_250 = tpu.memref_slice %arg3[%add3A_242, %dma_wait3A_249] : memref<8192x2048xf32, #tpu.memory_space<hbm>> -> memref<16x2048xf32, #tpu.memory_space<hbm>>
    tpu.wait_dma2 semaphore(%arg8 : memref<!tpu.dma_semaphore, #tpu.memory_space<semaphore_mem>>) src(%arg4 : memref<16x2048xf32, #tpu.memory_space<vmem>>) dst(%dma_wait3A_250 : memref<16x2048xf32, #tpu.memory_space<hbm>>)
    %add3A_251 = arith.constant 8192 : i32
    %add3A_252 = arith.addi %add3A_251, %mul3A_2 : i32
    %add3A_253 = arith.constant 192 : i32
    %add3A_254 = arith.addi %add3A_252, %add3A_253 : i32
    %dma_start3A_255 = arith.constant 0 : i32
    %dma_start3A_256 = tpu.memref_slice %arg2[%add3A_254, %dma_start3A_255] : memref<16384x2048xf32, #tpu.memory_space<hbm>> -> memref<16x2048xf32, #tpu.memory_space<hbm>>
    %dma_start3A_257 = arith.constant 0 : i32
    %dma_start3A_258 = tpu.memref_slice %arg2[%add3A_254, %dma_start3A_257] : memref<16384x2048xf32, #tpu.memory_space<hbm>> -> memref<16x2048xf32, #tpu.memory_space<hbm>>
    tpu.enqueue_dma source(%dma_start3A_258 : memref<16x2048xf32, #tpu.memory_space<hbm>>) target(%arg4 : memref<16x2048xf32, #tpu.memory_space<vmem>>) target_semaphore(%arg6 : memref<!tpu.dma_semaphore, #tpu.memory_space<semaphore_mem>>)
    %dma_wait3A_259 = arith.constant 0 : i32
    %dma_wait3A_260 = tpu.memref_slice %arg2[%add3A_232, %dma_wait3A_259] : memref<16384x2048xf32, #tpu.memory_space<hbm>> -> memref<16x2048xf32, #tpu.memory_space<hbm>>
    %dma_wait3A_261 = arith.constant 0 : i32
    %dma_wait3A_262 = tpu.memref_slice %arg2[%add3A_232, %dma_wait3A_261] : memref<16384x2048xf32, #tpu.memory_space<hbm>> -> memref<16x2048xf32, #tpu.memory_space<hbm>>
    tpu.wait_dma2 semaphore(%arg7 : memref<!tpu.dma_semaphore, #tpu.memory_space<semaphore_mem>>) src(%dma_wait3A_262 : memref<16x2048xf32, #tpu.memory_space<hbm>>) dst(%arg5 : memref<16x2048xf32, #tpu.memory_space<vmem>>)
    %add3A_263 = arith.constant 176 : i32
    %add3A_264 = arith.addi %mul3A_2, %add3A_263 : i32
    %dma_start3A_265 = arith.constant 0 : i32
    %dma_start3A_266 = tpu.memref_slice %arg3[%add3A_264, %dma_start3A_265] : memref<8192x2048xf32, #tpu.memory_space<hbm>> -> memref<16x2048xf32, #tpu.memory_space<hbm>>
    %dma_start3A_267 = arith.constant 0 : i32
    %dma_start3A_268 = tpu.memref_slice %arg3[%add3A_264, %dma_start3A_267] : memref<8192x2048xf32, #tpu.memory_space<hbm>> -> memref<16x2048xf32, #tpu.memory_space<hbm>>
    tpu.enqueue_dma source(%arg5 : memref<16x2048xf32, #tpu.memory_space<vmem>>) target(%dma_start3A_268 : memref<16x2048xf32, #tpu.memory_space<hbm>>) target_semaphore(%arg9 : memref<!tpu.dma_semaphore, #tpu.memory_space<semaphore_mem>>)
    %dma_wait3A_269 = arith.constant 0 : i32
    %dma_wait3A_270 = tpu.memref_slice %arg3[%add3A_264, %dma_wait3A_269] : memref<8192x2048xf32, #tpu.memory_space<hbm>> -> memref<16x2048xf32, #tpu.memory_space<hbm>>
    %dma_wait3A_271 = arith.constant 0 : i32
    %dma_wait3A_272 = tpu.memref_slice %arg3[%add3A_264, %dma_wait3A_271] : memref<8192x2048xf32, #tpu.memory_space<hbm>> -> memref<16x2048xf32, #tpu.memory_space<hbm>>
    tpu.wait_dma2 semaphore(%arg9 : memref<!tpu.dma_semaphore, #tpu.memory_space<semaphore_mem>>) src(%arg5 : memref<16x2048xf32, #tpu.memory_space<vmem>>) dst(%dma_wait3A_272 : memref<16x2048xf32, #tpu.memory_space<hbm>>)
    %add3A_273 = arith.constant 8192 : i32
    %add3A_274 = arith.addi %add3A_273, %mul3A_2 : i32
    %add3A_275 = arith.constant 208 : i32
    %add3A_276 = arith.addi %add3A_274, %add3A_275 : i32
    %dma_start3A_277 = arith.constant 0 : i32
    %dma_start3A_278 = tpu.memref_slice %arg2[%add3A_276, %dma_start3A_277] : memref<16384x2048xf32, #tpu.memory_space<hbm>> -> memref<16x2048xf32, #tpu.memory_space<hbm>>
    %dma_start3A_279 = arith.constant 0 : i32
    %dma_start3A_280 = tpu.memref_slice %arg2[%add3A_276, %dma_start3A_279] : memref<16384x2048xf32, #tpu.memory_space<hbm>> -> memref<16x2048xf32, #tpu.memory_space<hbm>>
    tpu.enqueue_dma source(%dma_start3A_280 : memref<16x2048xf32, #tpu.memory_space<hbm>>) target(%arg5 : memref<16x2048xf32, #tpu.memory_space<vmem>>) target_semaphore(%arg7 : memref<!tpu.dma_semaphore, #tpu.memory_space<semaphore_mem>>)
    %dma_wait3A_281 = arith.constant 0 : i32
    %dma_wait3A_282 = tpu.memref_slice %arg2[%add3A_254, %dma_wait3A_281] : memref<16384x2048xf32, #tpu.memory_space<hbm>> -> memref<16x2048xf32, #tpu.memory_space<hbm>>
    %dma_wait3A_283 = arith.constant 0 : i32
    %dma_wait3A_284 = tpu.memref_slice %arg2[%add3A_254, %dma_wait3A_283] : memref<16384x2048xf32, #tpu.memory_space<hbm>> -> memref<16x2048xf32, #tpu.memory_space<hbm>>
    tpu.wait_dma2 semaphore(%arg6 : memref<!tpu.dma_semaphore, #tpu.memory_space<semaphore_mem>>) src(%dma_wait3A_284 : memref<16x2048xf32, #tpu.memory_space<hbm>>) dst(%arg4 : memref<16x2048xf32, #tpu.memory_space<vmem>>)
    %add3A_285 = arith.constant 192 : i32
    %add3A_286 = arith.addi %mul3A_2, %add3A_285 : i32
    %dma_start3A_287 = arith.constant 0 : i32
    %dma_start3A_288 = tpu.memref_slice %arg3[%add3A_286, %dma_start3A_287] : memref<8192x2048xf32, #tpu.memory_space<hbm>> -> memref<16x2048xf32, #tpu.memory_space<hbm>>
    %dma_start3A_289 = arith.constant 0 : i32
    %dma_start3A_290 = tpu.memref_slice %arg3[%add3A_286, %dma_start3A_289] : memref<8192x2048xf32, #tpu.memory_space<hbm>> -> memref<16x2048xf32, #tpu.memory_space<hbm>>
    tpu.enqueue_dma source(%arg4 : memref<16x2048xf32, #tpu.memory_space<vmem>>) target(%dma_start3A_290 : memref<16x2048xf32, #tpu.memory_space<hbm>>) target_semaphore(%arg8 : memref<!tpu.dma_semaphore, #tpu.memory_space<semaphore_mem>>)
    %dma_wait3A_291 = arith.constant 0 : i32
    %dma_wait3A_292 = tpu.memref_slice %arg3[%add3A_286, %dma_wait3A_291] : memref<8192x2048xf32, #tpu.memory_space<hbm>> -> memref<16x2048xf32, #tpu.memory_space<hbm>>
    %dma_wait3A_293 = arith.constant 0 : i32
    %dma_wait3A_294 = tpu.memref_slice %arg3[%add3A_286, %dma_wait3A_293] : memref<8192x2048xf32, #tpu.memory_space<hbm>> -> memref<16x2048xf32, #tpu.memory_space<hbm>>
    tpu.wait_dma2 semaphore(%arg8 : memref<!tpu.dma_semaphore, #tpu.memory_space<semaphore_mem>>) src(%arg4 : memref<16x2048xf32, #tpu.memory_space<vmem>>) dst(%dma_wait3A_294 : memref<16x2048xf32, #tpu.memory_space<hbm>>)
    %add3A_295 = arith.constant 8192 : i32
    %add3A_296 = arith.addi %add3A_295, %mul3A_2 : i32
    %add3A_297 = arith.constant 224 : i32
    %add3A_298 = arith.addi %add3A_296, %add3A_297 : i32
    %dma_start3A_299 = arith.constant 0 : i32
    %dma_start3A_300 = tpu.memref_slice %arg2[%add3A_298, %dma_start3A_299] : memref<16384x2048xf32, #tpu.memory_space<hbm>> -> memref<16x2048xf32, #tpu.memory_space<hbm>>
    %dma_start3A_301 = arith.constant 0 : i32
    %dma_start3A_302 = tpu.memref_slice %arg2[%add3A_298, %dma_start3A_301] : memref<16384x2048xf32, #tpu.memory_space<hbm>> -> memref<16x2048xf32, #tpu.memory_space<hbm>>
    tpu.enqueue_dma source(%dma_start3A_302 : memref<16x2048xf32, #tpu.memory_space<hbm>>) target(%arg4 : memref<16x2048xf32, #tpu.memory_space<vmem>>) target_semaphore(%arg6 : memref<!tpu.dma_semaphore, #tpu.memory_space<semaphore_mem>>)
    %dma_wait3A_303 = arith.constant 0 : i32
    %dma_wait3A_304 = tpu.memref_slice %arg2[%add3A_276, %dma_wait3A_303] : memref<16384x2048xf32, #tpu.memory_space<hbm>> -> memref<16x2048xf32, #tpu.memory_space<hbm>>
    %dma_wait3A_305 = arith.constant 0 : i32
    %dma_wait3A_306 = tpu.memref_slice %arg2[%add3A_276, %dma_wait3A_305] : memref<16384x2048xf32, #tpu.memory_space<hbm>> -> memref<16x2048xf32, #tpu.memory_space<hbm>>
    tpu.wait_dma2 semaphore(%arg7 : memref<!tpu.dma_semaphore, #tpu.memory_space<semaphore_mem>>) src(%dma_wait3A_306 : memref<16x2048xf32, #tpu.memory_space<hbm>>) dst(%arg5 : memref<16x2048xf32, #tpu.memory_space<vmem>>)
    %add3A_307 = arith.constant 208 : i32
    %add3A_308 = arith.addi %mul3A_2, %add3A_307 : i32
    %dma_start3A_309 = arith.constant 0 : i32
    %dma_start3A_310 = tpu.memref_slice %arg3[%add3A_308, %dma_start3A_309] : memref<8192x2048xf32, #tpu.memory_space<hbm>> -> memref<16x2048xf32, #tpu.memory_space<hbm>>
    %dma_start3A_311 = arith.constant 0 : i32
    %dma_start3A_312 = tpu.memref_slice %arg3[%add3A_308, %dma_start3A_311] : memref<8192x2048xf32, #tpu.memory_space<hbm>> -> memref<16x2048xf32, #tpu.memory_space<hbm>>
    tpu.enqueue_dma source(%arg5 : memref<16x2048xf32, #tpu.memory_space<vmem>>) target(%dma_start3A_312 : memref<16x2048xf32, #tpu.memory_space<hbm>>) target_semaphore(%arg9 : memref<!tpu.dma_semaphore, #tpu.memory_space<semaphore_mem>>)
    %dma_wait3A_313 = arith.constant 0 : i32
    %dma_wait3A_314 = tpu.memref_slice %arg3[%add3A_308, %dma_wait3A_313] : memref<8192x2048xf32, #tpu.memory_space<hbm>> -> memref<16x2048xf32, #tpu.memory_space<hbm>>
    %dma_wait3A_315 = arith.constant 0 : i32
    %dma_wait3A_316 = tpu.memref_slice %arg3[%add3A_308, %dma_wait3A_315] : memref<8192x2048xf32, #tpu.memory_space<hbm>> -> memref<16x2048xf32, #tpu.memory_space<hbm>>
    tpu.wait_dma2 semaphore(%arg9 : memref<!tpu.dma_semaphore, #tpu.memory_space<semaphore_mem>>) src(%arg5 : memref<16x2048xf32, #tpu.memory_space<vmem>>) dst(%dma_wait3A_316 : memref<16x2048xf32, #tpu.memory_space<hbm>>)
    %add3A_317 = arith.constant 8192 : i32
    %add3A_318 = arith.addi %add3A_317, %mul3A_2 : i32
    %add3A_319 = arith.constant 240 : i32
    %add3A_320 = arith.addi %add3A_318, %add3A_319 : i32
    %dma_start3A_321 = arith.constant 0 : i32
    %dma_start3A_322 = tpu.memref_slice %arg2[%add3A_320, %dma_start3A_321] : memref<16384x2048xf32, #tpu.memory_space<hbm>> -> memref<16x2048xf32, #tpu.memory_space<hbm>>
    %dma_start3A_323 = arith.constant 0 : i32
    %dma_start3A_324 = tpu.memref_slice %arg2[%add3A_320, %dma_start3A_323] : memref<16384x2048xf32, #tpu.memory_space<hbm>> -> memref<16x2048xf32, #tpu.memory_space<hbm>>
    tpu.enqueue_dma source(%dma_start3A_324 : memref<16x2048xf32, #tpu.memory_space<hbm>>) target(%arg5 : memref<16x2048xf32, #tpu.memory_space<vmem>>) target_semaphore(%arg7 : memref<!tpu.dma_semaphore, #tpu.memory_space<semaphore_mem>>)
    %dma_wait3A_325 = arith.constant 0 : i32
    %dma_wait3A_326 = tpu.memref_slice %arg2[%add3A_298, %dma_wait3A_325] : memref<16384x2048xf32, #tpu.memory_space<hbm>> -> memref<16x2048xf32, #tpu.memory_space<hbm>>
    %dma_wait3A_327 = arith.constant 0 : i32
    %dma_wait3A_328 = tpu.memref_slice %arg2[%add3A_298, %dma_wait3A_327] : memref<16384x2048xf32, #tpu.memory_space<hbm>> -> memref<16x2048xf32, #tpu.memory_space<hbm>>
    tpu.wait_dma2 semaphore(%arg6 : memref<!tpu.dma_semaphore, #tpu.memory_space<semaphore_mem>>) src(%dma_wait3A_328 : memref<16x2048xf32, #tpu.memory_space<hbm>>) dst(%arg4 : memref<16x2048xf32, #tpu.memory_space<vmem>>)
    %add3A_329 = arith.constant 224 : i32
    %add3A_330 = arith.addi %mul3A_2, %add3A_329 : i32
    %dma_start3A_331 = arith.constant 0 : i32
    %dma_start3A_332 = tpu.memref_slice %arg3[%add3A_330, %dma_start3A_331] : memref<8192x2048xf32, #tpu.memory_space<hbm>> -> memref<16x2048xf32, #tpu.memory_space<hbm>>
    %dma_start3A_333 = arith.constant 0 : i32
    %dma_start3A_334 = tpu.memref_slice %arg3[%add3A_330, %dma_start3A_333] : memref<8192x2048xf32, #tpu.memory_space<hbm>> -> memref<16x2048xf32, #tpu.memory_space<hbm>>
    tpu.enqueue_dma source(%arg4 : memref<16x2048xf32, #tpu.memory_space<vmem>>) target(%dma_start3A_334 : memref<16x2048xf32, #tpu.memory_space<hbm>>) target_semaphore(%arg8 : memref<!tpu.dma_semaphore, #tpu.memory_space<semaphore_mem>>)
    %dma_wait3A_335 = arith.constant 0 : i32
    %dma_wait3A_336 = tpu.memref_slice %arg2[%add3A_320, %dma_wait3A_335] : memref<16384x2048xf32, #tpu.memory_space<hbm>> -> memref<16x2048xf32, #tpu.memory_space<hbm>>
    %dma_wait3A_337 = arith.constant 0 : i32
    %dma_wait3A_338 = tpu.memref_slice %arg2[%add3A_320, %dma_wait3A_337] : memref<16384x2048xf32, #tpu.memory_space<hbm>> -> memref<16x2048xf32, #tpu.memory_space<hbm>>
    tpu.wait_dma2 semaphore(%arg7 : memref<!tpu.dma_semaphore, #tpu.memory_space<semaphore_mem>>) src(%dma_wait3A_338 : memref<16x2048xf32, #tpu.memory_space<hbm>>) dst(%arg5 : memref<16x2048xf32, #tpu.memory_space<vmem>>)
    %add3A_339 = arith.constant 240 : i32
    %add3A_340 = arith.addi %mul3A_2, %add3A_339 : i32
    %dma_start3A_341 = arith.constant 0 : i32
    %dma_start3A_342 = tpu.memref_slice %arg3[%add3A_340, %dma_start3A_341] : memref<8192x2048xf32, #tpu.memory_space<hbm>> -> memref<16x2048xf32, #tpu.memory_space<hbm>>
    %dma_start3A_343 = arith.constant 0 : i32
    %dma_start3A_344 = tpu.memref_slice %arg3[%add3A_340, %dma_start3A_343] : memref<8192x2048xf32, #tpu.memory_space<hbm>> -> memref<16x2048xf32, #tpu.memory_space<hbm>>
    tpu.enqueue_dma source(%arg5 : memref<16x2048xf32, #tpu.memory_space<vmem>>) target(%dma_start3A_344 : memref<16x2048xf32, #tpu.memory_space<hbm>>) target_semaphore(%arg9 : memref<!tpu.dma_semaphore, #tpu.memory_space<semaphore_mem>>)
    %dma_wait3A_345 = arith.constant 0 : i32
    %dma_wait3A_346 = tpu.memref_slice %arg3[%add3A_330, %dma_wait3A_345] : memref<8192x2048xf32, #tpu.memory_space<hbm>> -> memref<16x2048xf32, #tpu.memory_space<hbm>>
    %dma_wait3A_347 = arith.constant 0 : i32
    %dma_wait3A_348 = tpu.memref_slice %arg3[%add3A_330, %dma_wait3A_347] : memref<8192x2048xf32, #tpu.memory_space<hbm>> -> memref<16x2048xf32, #tpu.memory_space<hbm>>
    tpu.wait_dma2 semaphore(%arg8 : memref<!tpu.dma_semaphore, #tpu.memory_space<semaphore_mem>>) src(%arg4 : memref<16x2048xf32, #tpu.memory_space<vmem>>) dst(%dma_wait3A_348 : memref<16x2048xf32, #tpu.memory_space<hbm>>)
    %dma_wait3A_349 = arith.constant 0 : i32
    %dma_wait3A_350 = tpu.memref_slice %arg3[%add3A_340, %dma_wait3A_349] : memref<8192x2048xf32, #tpu.memory_space<hbm>> -> memref<16x2048xf32, #tpu.memory_space<hbm>>
    %dma_wait3A_351 = arith.constant 0 : i32
    %dma_wait3A_352 = tpu.memref_slice %arg3[%add3A_340, %dma_wait3A_351] : memref<8192x2048xf32, #tpu.memory_space<hbm>> -> memref<16x2048xf32, #tpu.memory_space<hbm>>
    tpu.wait_dma2 semaphore(%arg9 : memref<!tpu.dma_semaphore, #tpu.memory_space<semaphore_mem>>) src(%arg5 : memref<16x2048xf32, #tpu.memory_space<vmem>>) dst(%dma_wait3A_352 : memref<16x2048xf32, #tpu.memory_space<hbm>>)
    return
  }
}

module attributes {stable_mosaic.version = 14 : i64} {
  func.func @body(%arg0: memref<16384x2048xf32, #tpu.memory_space<any>>, %arg1: memref<8192x2048xf32, #tpu.memory_space<any>>, %arg2: memref<1024x2048xf32, #tpu.memory_space<vmem>>, %arg3: memref<1024x2048xf32, #tpu.memory_space<vmem>>, %arg4: memref<1024x2048xf32, #tpu.memory_space<vmem>>, %arg5: memref<1024x2048xf32, #tpu.memory_space<vmem>>, %arg6: memref<!tpu.dma_semaphore, #tpu.memory_space<semaphore_mem>>, %arg7: memref<!tpu.dma_semaphore, #tpu.memory_space<semaphore_mem>>, %arg8: memref<!tpu.dma_semaphore, #tpu.memory_space<semaphore_mem>>, %arg9: memref<!tpu.dma_semaphore, #tpu.memory_space<semaphore_mem>>, %arg10: memref<!tpu.dma_semaphore, #tpu.memory_space<semaphore_mem>>, %arg11: memref<!tpu.dma_semaphore, #tpu.memory_space<semaphore_mem>>, %arg12: memref<!tpu.dma_semaphore, #tpu.memory_space<semaphore_mem>>, %arg13: memref<!tpu.dma_semaphore, #tpu.memory_space<semaphore_mem>>, %arg14: memref<!tpu.dma_semaphore, #tpu.memory_space<semaphore_mem>>, %arg15: memref<!tpu.dma_semaphore, #tpu.memory_space<semaphore_mem>>, %arg16: memref<!tpu.dma_semaphore, #tpu.memory_space<semaphore_mem>>, %arg17: memref<!tpu.dma_semaphore, #tpu.memory_space<semaphore_mem>>, %arg18: memref<!tpu.dma_semaphore, #tpu.memory_space<semaphore_mem>>, %arg19: memref<!tpu.dma_semaphore, #tpu.memory_space<semaphore_mem>>, %arg20: memref<!tpu.dma_semaphore, #tpu.memory_space<semaphore_mem>>, %arg21: memref<!tpu.dma_semaphore, #tpu.memory_space<semaphore_mem>>) attributes {dimension_semantics = [], scalar_prefetch = 0 : i64, scratch_operands = 20 : i64, tpu.core_type = #tpu.core_type<tc>} {
    %dma_start3A = arith.constant 0 : i32
    %dma_start3A_0 = arith.constant 0 : i32
    %dma_start3A_1 = tpu.memref_slice %arg0[%dma_start3A, %dma_start3A_0] : memref<16384x2048xf32, #tpu.memory_space<any>> -> memref<1024x2048xf32, #tpu.memory_space<any>>
    tpu.enqueue_dma source(%dma_start3A_1 : memref<1024x2048xf32, #tpu.memory_space<any>>) target(%arg2 : memref<1024x2048xf32, #tpu.memory_space<vmem>>) target_semaphore(%arg6 : memref<!tpu.dma_semaphore, #tpu.memory_space<semaphore_mem>>)
    %dma_start3A_2 = arith.constant 1024 : i32
    %dma_start3A_3 = arith.constant 0 : i32
    %dma_start3A_4 = tpu.memref_slice %arg0[%dma_start3A_2, %dma_start3A_3] : memref<16384x2048xf32, #tpu.memory_space<any>> -> memref<1024x2048xf32, #tpu.memory_space<any>>
    tpu.enqueue_dma source(%dma_start3A_4 : memref<1024x2048xf32, #tpu.memory_space<any>>) target(%arg3 : memref<1024x2048xf32, #tpu.memory_space<vmem>>) target_semaphore(%arg7 : memref<!tpu.dma_semaphore, #tpu.memory_space<semaphore_mem>>)
    %dma_wait3A = arith.constant 0 : i32
    %dma_wait3A_5 = arith.constant 0 : i32
    %dma_wait3A_6 = tpu.memref_slice %arg0[%dma_wait3A, %dma_wait3A_5] : memref<16384x2048xf32, #tpu.memory_space<any>> -> memref<1024x2048xf32, #tpu.memory_space<any>>
    tpu.wait_dma2 semaphore(%arg6 : memref<!tpu.dma_semaphore, #tpu.memory_space<semaphore_mem>>) src(%dma_wait3A_6 : memref<1024x2048xf32, #tpu.memory_space<any>>) dst(%arg2 : memref<1024x2048xf32, #tpu.memory_space<vmem>>)
    %dma_start3A_7 = arith.constant 0 : i32
    %dma_start3A_8 = arith.constant 0 : i32
    %dma_start3A_9 = tpu.memref_slice %arg1[%dma_start3A_7, %dma_start3A_8] : memref<8192x2048xf32, #tpu.memory_space<any>> -> memref<1024x2048xf32, #tpu.memory_space<any>>
    tpu.enqueue_dma source(%arg2 : memref<1024x2048xf32, #tpu.memory_space<vmem>>) target(%dma_start3A_9 : memref<1024x2048xf32, #tpu.memory_space<any>>) target_semaphore(%arg14 : memref<!tpu.dma_semaphore, #tpu.memory_space<semaphore_mem>>)
    %dma_start3A_10 = arith.constant 2048 : i32
    %dma_start3A_11 = arith.constant 0 : i32
    %dma_start3A_12 = tpu.memref_slice %arg0[%dma_start3A_10, %dma_start3A_11] : memref<16384x2048xf32, #tpu.memory_space<any>> -> memref<1024x2048xf32, #tpu.memory_space<any>>
    tpu.enqueue_dma source(%dma_start3A_12 : memref<1024x2048xf32, #tpu.memory_space<any>>) target(%arg4 : memref<1024x2048xf32, #tpu.memory_space<vmem>>) target_semaphore(%arg8 : memref<!tpu.dma_semaphore, #tpu.memory_space<semaphore_mem>>)
    %dma_wait3A_13 = arith.constant 1024 : i32
    %dma_wait3A_14 = arith.constant 0 : i32
    %dma_wait3A_15 = tpu.memref_slice %arg0[%dma_wait3A_13, %dma_wait3A_14] : memref<16384x2048xf32, #tpu.memory_space<any>> -> memref<1024x2048xf32, #tpu.memory_space<any>>
    tpu.wait_dma2 semaphore(%arg7 : memref<!tpu.dma_semaphore, #tpu.memory_space<semaphore_mem>>) src(%dma_wait3A_15 : memref<1024x2048xf32, #tpu.memory_space<any>>) dst(%arg3 : memref<1024x2048xf32, #tpu.memory_space<vmem>>)
    %dma_start3A_16 = arith.constant 1024 : i32
    %dma_start3A_17 = arith.constant 0 : i32
    %dma_start3A_18 = tpu.memref_slice %arg1[%dma_start3A_16, %dma_start3A_17] : memref<8192x2048xf32, #tpu.memory_space<any>> -> memref<1024x2048xf32, #tpu.memory_space<any>>
    tpu.enqueue_dma source(%arg3 : memref<1024x2048xf32, #tpu.memory_space<vmem>>) target(%dma_start3A_18 : memref<1024x2048xf32, #tpu.memory_space<any>>) target_semaphore(%arg15 : memref<!tpu.dma_semaphore, #tpu.memory_space<semaphore_mem>>)
    %dma_start3A_19 = arith.constant 3072 : i32
    %dma_start3A_20 = arith.constant 0 : i32
    %dma_start3A_21 = tpu.memref_slice %arg0[%dma_start3A_19, %dma_start3A_20] : memref<16384x2048xf32, #tpu.memory_space<any>> -> memref<1024x2048xf32, #tpu.memory_space<any>>
    tpu.enqueue_dma source(%dma_start3A_21 : memref<1024x2048xf32, #tpu.memory_space<any>>) target(%arg5 : memref<1024x2048xf32, #tpu.memory_space<vmem>>) target_semaphore(%arg9 : memref<!tpu.dma_semaphore, #tpu.memory_space<semaphore_mem>>)
    %dma_wait3A_22 = arith.constant 2048 : i32
    %dma_wait3A_23 = arith.constant 0 : i32
    %dma_wait3A_24 = tpu.memref_slice %arg0[%dma_wait3A_22, %dma_wait3A_23] : memref<16384x2048xf32, #tpu.memory_space<any>> -> memref<1024x2048xf32, #tpu.memory_space<any>>
    tpu.wait_dma2 semaphore(%arg8 : memref<!tpu.dma_semaphore, #tpu.memory_space<semaphore_mem>>) src(%dma_wait3A_24 : memref<1024x2048xf32, #tpu.memory_space<any>>) dst(%arg4 : memref<1024x2048xf32, #tpu.memory_space<vmem>>)
    %dma_start3A_25 = arith.constant 2048 : i32
    %dma_start3A_26 = arith.constant 0 : i32
    %dma_start3A_27 = tpu.memref_slice %arg1[%dma_start3A_25, %dma_start3A_26] : memref<8192x2048xf32, #tpu.memory_space<any>> -> memref<1024x2048xf32, #tpu.memory_space<any>>
    tpu.enqueue_dma source(%arg4 : memref<1024x2048xf32, #tpu.memory_space<vmem>>) target(%dma_start3A_27 : memref<1024x2048xf32, #tpu.memory_space<any>>) target_semaphore(%arg16 : memref<!tpu.dma_semaphore, #tpu.memory_space<semaphore_mem>>)
    %dma_wait3A_28 = arith.constant 0 : i32
    %dma_wait3A_29 = arith.constant 0 : i32
    %dma_wait3A_30 = tpu.memref_slice %arg1[%dma_wait3A_28, %dma_wait3A_29] : memref<8192x2048xf32, #tpu.memory_space<any>> -> memref<1024x2048xf32, #tpu.memory_space<any>>
    tpu.wait_dma2 semaphore(%arg14 : memref<!tpu.dma_semaphore, #tpu.memory_space<semaphore_mem>>) src(%arg2 : memref<1024x2048xf32, #tpu.memory_space<vmem>>) dst(%dma_wait3A_30 : memref<1024x2048xf32, #tpu.memory_space<any>>)
    %dma_start3A_31 = arith.constant 4096 : i32
    %dma_start3A_32 = arith.constant 0 : i32
    %dma_start3A_33 = tpu.memref_slice %arg0[%dma_start3A_31, %dma_start3A_32] : memref<16384x2048xf32, #tpu.memory_space<any>> -> memref<1024x2048xf32, #tpu.memory_space<any>>
    tpu.enqueue_dma source(%dma_start3A_33 : memref<1024x2048xf32, #tpu.memory_space<any>>) target(%arg2 : memref<1024x2048xf32, #tpu.memory_space<vmem>>) target_semaphore(%arg10 : memref<!tpu.dma_semaphore, #tpu.memory_space<semaphore_mem>>)
    %dma_wait3A_34 = arith.constant 3072 : i32
    %dma_wait3A_35 = arith.constant 0 : i32
    %dma_wait3A_36 = tpu.memref_slice %arg0[%dma_wait3A_34, %dma_wait3A_35] : memref<16384x2048xf32, #tpu.memory_space<any>> -> memref<1024x2048xf32, #tpu.memory_space<any>>
    tpu.wait_dma2 semaphore(%arg9 : memref<!tpu.dma_semaphore, #tpu.memory_space<semaphore_mem>>) src(%dma_wait3A_36 : memref<1024x2048xf32, #tpu.memory_space<any>>) dst(%arg5 : memref<1024x2048xf32, #tpu.memory_space<vmem>>)
    %dma_start3A_37 = arith.constant 3072 : i32
    %dma_start3A_38 = arith.constant 0 : i32
    %dma_start3A_39 = tpu.memref_slice %arg1[%dma_start3A_37, %dma_start3A_38] : memref<8192x2048xf32, #tpu.memory_space<any>> -> memref<1024x2048xf32, #tpu.memory_space<any>>
    tpu.enqueue_dma source(%arg5 : memref<1024x2048xf32, #tpu.memory_space<vmem>>) target(%dma_start3A_39 : memref<1024x2048xf32, #tpu.memory_space<any>>) target_semaphore(%arg17 : memref<!tpu.dma_semaphore, #tpu.memory_space<semaphore_mem>>)
    %dma_wait3A_40 = arith.constant 1024 : i32
    %dma_wait3A_41 = arith.constant 0 : i32
    %dma_wait3A_42 = tpu.memref_slice %arg1[%dma_wait3A_40, %dma_wait3A_41] : memref<8192x2048xf32, #tpu.memory_space<any>> -> memref<1024x2048xf32, #tpu.memory_space<any>>
    tpu.wait_dma2 semaphore(%arg15 : memref<!tpu.dma_semaphore, #tpu.memory_space<semaphore_mem>>) src(%arg3 : memref<1024x2048xf32, #tpu.memory_space<vmem>>) dst(%dma_wait3A_42 : memref<1024x2048xf32, #tpu.memory_space<any>>)
    %dma_start3A_43 = arith.constant 5120 : i32
    %dma_start3A_44 = arith.constant 0 : i32
    %dma_start3A_45 = tpu.memref_slice %arg0[%dma_start3A_43, %dma_start3A_44] : memref<16384x2048xf32, #tpu.memory_space<any>> -> memref<1024x2048xf32, #tpu.memory_space<any>>
    tpu.enqueue_dma source(%dma_start3A_45 : memref<1024x2048xf32, #tpu.memory_space<any>>) target(%arg3 : memref<1024x2048xf32, #tpu.memory_space<vmem>>) target_semaphore(%arg11 : memref<!tpu.dma_semaphore, #tpu.memory_space<semaphore_mem>>)
    %dma_wait3A_46 = arith.constant 4096 : i32
    %dma_wait3A_47 = arith.constant 0 : i32
    %dma_wait3A_48 = tpu.memref_slice %arg0[%dma_wait3A_46, %dma_wait3A_47] : memref<16384x2048xf32, #tpu.memory_space<any>> -> memref<1024x2048xf32, #tpu.memory_space<any>>
    tpu.wait_dma2 semaphore(%arg10 : memref<!tpu.dma_semaphore, #tpu.memory_space<semaphore_mem>>) src(%dma_wait3A_48 : memref<1024x2048xf32, #tpu.memory_space<any>>) dst(%arg2 : memref<1024x2048xf32, #tpu.memory_space<vmem>>)
    %dma_start3A_49 = arith.constant 4096 : i32
    %dma_start3A_50 = arith.constant 0 : i32
    %dma_start3A_51 = tpu.memref_slice %arg1[%dma_start3A_49, %dma_start3A_50] : memref<8192x2048xf32, #tpu.memory_space<any>> -> memref<1024x2048xf32, #tpu.memory_space<any>>
    tpu.enqueue_dma source(%arg2 : memref<1024x2048xf32, #tpu.memory_space<vmem>>) target(%dma_start3A_51 : memref<1024x2048xf32, #tpu.memory_space<any>>) target_semaphore(%arg18 : memref<!tpu.dma_semaphore, #tpu.memory_space<semaphore_mem>>)
    %dma_wait3A_52 = arith.constant 2048 : i32
    %dma_wait3A_53 = arith.constant 0 : i32
    %dma_wait3A_54 = tpu.memref_slice %arg1[%dma_wait3A_52, %dma_wait3A_53] : memref<8192x2048xf32, #tpu.memory_space<any>> -> memref<1024x2048xf32, #tpu.memory_space<any>>
    tpu.wait_dma2 semaphore(%arg16 : memref<!tpu.dma_semaphore, #tpu.memory_space<semaphore_mem>>) src(%arg4 : memref<1024x2048xf32, #tpu.memory_space<vmem>>) dst(%dma_wait3A_54 : memref<1024x2048xf32, #tpu.memory_space<any>>)
    %dma_start3A_55 = arith.constant 6144 : i32
    %dma_start3A_56 = arith.constant 0 : i32
    %dma_start3A_57 = tpu.memref_slice %arg0[%dma_start3A_55, %dma_start3A_56] : memref<16384x2048xf32, #tpu.memory_space<any>> -> memref<1024x2048xf32, #tpu.memory_space<any>>
    tpu.enqueue_dma source(%dma_start3A_57 : memref<1024x2048xf32, #tpu.memory_space<any>>) target(%arg4 : memref<1024x2048xf32, #tpu.memory_space<vmem>>) target_semaphore(%arg12 : memref<!tpu.dma_semaphore, #tpu.memory_space<semaphore_mem>>)
    %dma_wait3A_58 = arith.constant 5120 : i32
    %dma_wait3A_59 = arith.constant 0 : i32
    %dma_wait3A_60 = tpu.memref_slice %arg0[%dma_wait3A_58, %dma_wait3A_59] : memref<16384x2048xf32, #tpu.memory_space<any>> -> memref<1024x2048xf32, #tpu.memory_space<any>>
    tpu.wait_dma2 semaphore(%arg11 : memref<!tpu.dma_semaphore, #tpu.memory_space<semaphore_mem>>) src(%dma_wait3A_60 : memref<1024x2048xf32, #tpu.memory_space<any>>) dst(%arg3 : memref<1024x2048xf32, #tpu.memory_space<vmem>>)
    %dma_start3A_61 = arith.constant 5120 : i32
    %dma_start3A_62 = arith.constant 0 : i32
    %dma_start3A_63 = tpu.memref_slice %arg1[%dma_start3A_61, %dma_start3A_62] : memref<8192x2048xf32, #tpu.memory_space<any>> -> memref<1024x2048xf32, #tpu.memory_space<any>>
    tpu.enqueue_dma source(%arg3 : memref<1024x2048xf32, #tpu.memory_space<vmem>>) target(%dma_start3A_63 : memref<1024x2048xf32, #tpu.memory_space<any>>) target_semaphore(%arg19 : memref<!tpu.dma_semaphore, #tpu.memory_space<semaphore_mem>>)
    %dma_wait3A_64 = arith.constant 3072 : i32
    %dma_wait3A_65 = arith.constant 0 : i32
    %dma_wait3A_66 = tpu.memref_slice %arg1[%dma_wait3A_64, %dma_wait3A_65] : memref<8192x2048xf32, #tpu.memory_space<any>> -> memref<1024x2048xf32, #tpu.memory_space<any>>
    tpu.wait_dma2 semaphore(%arg17 : memref<!tpu.dma_semaphore, #tpu.memory_space<semaphore_mem>>) src(%arg5 : memref<1024x2048xf32, #tpu.memory_space<vmem>>) dst(%dma_wait3A_66 : memref<1024x2048xf32, #tpu.memory_space<any>>)
    %dma_start3A_67 = arith.constant 7168 : i32
    %dma_start3A_68 = arith.constant 0 : i32
    %dma_start3A_69 = tpu.memref_slice %arg0[%dma_start3A_67, %dma_start3A_68] : memref<16384x2048xf32, #tpu.memory_space<any>> -> memref<1024x2048xf32, #tpu.memory_space<any>>
    tpu.enqueue_dma source(%dma_start3A_69 : memref<1024x2048xf32, #tpu.memory_space<any>>) target(%arg5 : memref<1024x2048xf32, #tpu.memory_space<vmem>>) target_semaphore(%arg13 : memref<!tpu.dma_semaphore, #tpu.memory_space<semaphore_mem>>)
    %dma_wait3A_70 = arith.constant 6144 : i32
    %dma_wait3A_71 = arith.constant 0 : i32
    %dma_wait3A_72 = tpu.memref_slice %arg0[%dma_wait3A_70, %dma_wait3A_71] : memref<16384x2048xf32, #tpu.memory_space<any>> -> memref<1024x2048xf32, #tpu.memory_space<any>>
    tpu.wait_dma2 semaphore(%arg12 : memref<!tpu.dma_semaphore, #tpu.memory_space<semaphore_mem>>) src(%dma_wait3A_72 : memref<1024x2048xf32, #tpu.memory_space<any>>) dst(%arg4 : memref<1024x2048xf32, #tpu.memory_space<vmem>>)
    %dma_start3A_73 = arith.constant 6144 : i32
    %dma_start3A_74 = arith.constant 0 : i32
    %dma_start3A_75 = tpu.memref_slice %arg1[%dma_start3A_73, %dma_start3A_74] : memref<8192x2048xf32, #tpu.memory_space<any>> -> memref<1024x2048xf32, #tpu.memory_space<any>>
    tpu.enqueue_dma source(%arg4 : memref<1024x2048xf32, #tpu.memory_space<vmem>>) target(%dma_start3A_75 : memref<1024x2048xf32, #tpu.memory_space<any>>) target_semaphore(%arg20 : memref<!tpu.dma_semaphore, #tpu.memory_space<semaphore_mem>>)
    %dma_wait3A_76 = arith.constant 7168 : i32
    %dma_wait3A_77 = arith.constant 0 : i32
    %dma_wait3A_78 = tpu.memref_slice %arg0[%dma_wait3A_76, %dma_wait3A_77] : memref<16384x2048xf32, #tpu.memory_space<any>> -> memref<1024x2048xf32, #tpu.memory_space<any>>
    tpu.wait_dma2 semaphore(%arg13 : memref<!tpu.dma_semaphore, #tpu.memory_space<semaphore_mem>>) src(%dma_wait3A_78 : memref<1024x2048xf32, #tpu.memory_space<any>>) dst(%arg5 : memref<1024x2048xf32, #tpu.memory_space<vmem>>)
    %dma_start3A_79 = arith.constant 7168 : i32
    %dma_start3A_80 = arith.constant 0 : i32
    %dma_start3A_81 = tpu.memref_slice %arg1[%dma_start3A_79, %dma_start3A_80] : memref<8192x2048xf32, #tpu.memory_space<any>> -> memref<1024x2048xf32, #tpu.memory_space<any>>
    tpu.enqueue_dma source(%arg5 : memref<1024x2048xf32, #tpu.memory_space<vmem>>) target(%dma_start3A_81 : memref<1024x2048xf32, #tpu.memory_space<any>>) target_semaphore(%arg21 : memref<!tpu.dma_semaphore, #tpu.memory_space<semaphore_mem>>)
    %dma_wait3A_82 = arith.constant 4096 : i32
    %dma_wait3A_83 = arith.constant 0 : i32
    %dma_wait3A_84 = tpu.memref_slice %arg1[%dma_wait3A_82, %dma_wait3A_83] : memref<8192x2048xf32, #tpu.memory_space<any>> -> memref<1024x2048xf32, #tpu.memory_space<any>>
    tpu.wait_dma2 semaphore(%arg18 : memref<!tpu.dma_semaphore, #tpu.memory_space<semaphore_mem>>) src(%arg2 : memref<1024x2048xf32, #tpu.memory_space<vmem>>) dst(%dma_wait3A_84 : memref<1024x2048xf32, #tpu.memory_space<any>>)
    %dma_wait3A_85 = arith.constant 5120 : i32
    %dma_wait3A_86 = arith.constant 0 : i32
    %dma_wait3A_87 = tpu.memref_slice %arg1[%dma_wait3A_85, %dma_wait3A_86] : memref<8192x2048xf32, #tpu.memory_space<any>> -> memref<1024x2048xf32, #tpu.memory_space<any>>
    tpu.wait_dma2 semaphore(%arg19 : memref<!tpu.dma_semaphore, #tpu.memory_space<semaphore_mem>>) src(%arg3 : memref<1024x2048xf32, #tpu.memory_space<vmem>>) dst(%dma_wait3A_87 : memref<1024x2048xf32, #tpu.memory_space<any>>)
    %dma_wait3A_88 = arith.constant 6144 : i32
    %dma_wait3A_89 = arith.constant 0 : i32
    %dma_wait3A_90 = tpu.memref_slice %arg1[%dma_wait3A_88, %dma_wait3A_89] : memref<8192x2048xf32, #tpu.memory_space<any>> -> memref<1024x2048xf32, #tpu.memory_space<any>>
    tpu.wait_dma2 semaphore(%arg20 : memref<!tpu.dma_semaphore, #tpu.memory_space<semaphore_mem>>) src(%arg4 : memref<1024x2048xf32, #tpu.memory_space<vmem>>) dst(%dma_wait3A_90 : memref<1024x2048xf32, #tpu.memory_space<any>>)
    %dma_wait3A_91 = arith.constant 7168 : i32
    %dma_wait3A_92 = arith.constant 0 : i32
    %dma_wait3A_93 = tpu.memref_slice %arg1[%dma_wait3A_91, %dma_wait3A_92] : memref<8192x2048xf32, #tpu.memory_space<any>> -> memref<1024x2048xf32, #tpu.memory_space<any>>
    tpu.wait_dma2 semaphore(%arg21 : memref<!tpu.dma_semaphore, #tpu.memory_space<semaphore_mem>>) src(%arg5 : memref<1024x2048xf32, #tpu.memory_space<vmem>>) dst(%dma_wait3A_93 : memref<1024x2048xf32, #tpu.memory_space<any>>)
    return
  }
}

</mosaic_0001>

<sc_bundles>
// kernel: kernel.4.cloned.1.call-start
scs
__scs_entry_jumppad:
0x0: {  	(pc) =	sbr.rel $0x88, $3  }
0x1: {  	(tag) =	ssettag $0x0;
	lr =	simm.s32 $0x1  }
0x2: {  	[smem:$0x3FA0] =	sst lr;
	_ =	strace $0xD0000000  }
0x3: {  	_ = 	snop  }
0x4: {  	_ = 	snop  }
0x5: {  	_ = 	snop  }
0x6: {  	_ = 	snop  }
0x7: {  	_ = 	snop  }
__scs_overlays_trampoline_lowered:
0x8: {  	[smem:$0x3FAF] =	sst s0  }
0x9: {  	[smem:$0x3FB0] =	sst s1  }
0xa: {  	[smem:$0x3FB1] =	sst s2  }
0xb: {  	[smem:$0x3FB2] =	sst s3  }
0xc: {  	[smem:$0x3FB3] =	sst s4  }
0xd: {  	[smem:$0x3FB4] =	sst s5  }
0xe: {  	[smem:$0x3FB5] =	sst s6  }
0xf: {  	[smem:$0x3FB6] =	sst s7  }
0x10: {  	[smem:$0x3FB7] =	sst s8  }
0x11: {  	[smem:$0x3FB8] =	sst s9;
	s0 =	simm.s32 @!p0 $0x0  }
0x12: {  	s1 =	sld [smem:$0x3F9E];
	s0 =	simm.s32 @p0 $0x1  }
0x13: {  	[smem:$0x3FB9] =	sst s0;
	s0 =	simm.s32 @!p1 $0x0  }
0x14: {  	s2 =	sld [smem:$0x3F9D];
	s0 =	simm.s32 @p1 $0x1  }
0x15: {  	[smem:$0x3FBA] =	sst s0;
	s0 =	simm.s32 @!p2 $0x0  }
0x16: {  	s3 =	sld [smem:$0x3FDB];
	s0 =	simm.s32 @p2 $0x1  }
0x17: {  	s4 =	simm.s32 $0x1BF5;
	[smem:$0x3FBC] =	sst s0  }
0x18: {  	s0 =	sld [smem:$0x3F9F];
	_ =	swait.ge [sflag:s4], $0x0  }
0x19: {  	s7 =	sld [smem:$0x3FA0]  }
0x1a: {  	s8 =	sadd.s32 $0xFFFFE003, lr  }
0x1b: {  	s9 =	sadd.s32 $0xFFFFFEF7, lr;
	s5 =	simm.s32 $0xFFFFFFFF;
	p2 =	slt.u32 s8, $0xFFFFF086  }
0x1c: {  	p1 =	slt.u32 s9, $0xF7A;
	s5 =	simm.s32 @!p2 $0x0  }
0x1d: {  	s5 =	simm.s32 @p1 $0x1;
	p0 =	seq.s32 s7, s2  }
0x1e: {  	s7 =	smul.u32 @!p0 $0xF7A, s2;
	p2 =	seq.s32 @!p0 s5, $0x0  }
0x1f: {  	s9 =	smul.u32 $0xF7A, s1;
	s8 =	simm.s32 @!p0 $0x1BF5;
	p2 =	por !p2, p0  }
0x20: {  	[sflag:s8] =	ssyncset.s32 @!p0 $0xFFFFF086;
	s6 =	sadd.s32 @!p0 s3, s7;
	s7 =	simm.s32 @!p0 $0x108  }
0x21: {  	s3 =	sadd.s32 s3, s9;
	s6 =	sadd.s32 @!p0 $0x88, s6;
	s7 =	simm.s32 @p2 $0x1082  }
0x22: {  	[simem:s7], [sflag:s8] =	dma.local @!p0 [hbm:s6], $0xF7A  }
0x23: {  	s9 =	sor.u32 $0xD0000000, s2;
	s6 =	simm.s32 $0x108;
	_ =	swait.ge @!p0 [sflag:s8], $0x0  }
0x24: {  	s3 =	sadd.s32 $0x88, s3;
	s6 =	simm.s32 @!p1 $0x1082;
	[sflag:s4] =	ssyncset.s32 $0xFFFFF086  }
0x25: {  	[simem:s6], [sflag:s4] =	dma.local [hbm:s3], $0xF7A  }
0x26: {  	[smem:$0x3FA0] =	sst s1;
	(tag) =	ssettag s2;
	_ =	strace s9  }
0x27: {  	s1 =	sld [smem:$0x3FB0]  }
0x28: {  	s2 =	sld [smem:$0x3FB1]  }
0x29: {  	s4 =	sld [smem:$0x3FB3]  }
0x2a: {  	p0 =	seq.s32 s5, $0x0;
	s5 =	sld [smem:$0x3FB4]  }
0x2b: {  	s6 =	sld [smem:$0x3FB5]  }
0x2c: {  	s7 =	sld [smem:$0x3FB6]  }
0x2d: {  	s3 =	simm.s32 $0x108;
	s8 =	sld [smem:$0x3FB7]  }
0x2e: {  	s3 =	simm.s32 @!p0 $0x1082;
	s9 =	sld [smem:$0x3FB8]  }
0x2f: {  	lr =	sadd.s32 s0, s3;
	s0 =	sld [smem:$0x3FAF]  }
0x30: {  	s3 =	sld [smem:$0x3FB2]  }
0x31: {  	[smem:$0x3FBB] =	sst s10  }
0x32: {  	s10 =	sld [smem:$0x3FB9];
	_ =	sdelay $0x3  }
0x33: {  	p0 =	seq.s32 s10, $0x1;
	s10 =	sld [smem:$0x3FBB];
	_ =	sdelay $0x3  }
0x34: {  	[smem:$0x3FBB] =	sst s10  }
0x35: {  	s10 =	sld [smem:$0x3FBA];
	_ =	sdelay $0x3  }
0x36: {  	p1 =	seq.s32 s10, $0x1;
	s10 =	sld [smem:$0x3FBB];
	_ =	sdelay $0x3  }
0x37: {  	[smem:$0x3FBB] =	sst s10  }
0x38: {  	s10 =	sld [smem:$0x3FBC]  }
0x39: {  	_ = 	snop;
	(pc) =	sbr.ind lr, $3  }
0x3a: {  	_ = 	snop  }
0x3b: {  	_ = 	snop  }
0x3c: {  	p2 =	seq.s32 s10, $0x1;
	s10 =	sld [smem:$0x3FBB]  }
0x3d: {  	_ =	shalt  }
0x3e: {  	_ =	shalt  }
0x3f: {  	_ =	shalt  }
0x40: {  	_ =	shalt  }
0x41: {  	_ =	shalt  }
0x42: {  	_ =	shalt  }
0x43: {  	_ =	shalt  }
0x44: {  	_ =	shalt  }
0x45: {  	_ =	shalt  }
0x46: {  	_ =	shalt  }
0x47: {  	_ =	shalt  }
0x48: {  	_ =	shalt  }
0x49: {  	_ =	shalt  }
0x4a: {  	_ =	shalt  }
0x4b: {  	_ =	shalt  }
0x4c: {  	_ =	shalt  }
0x4d: {  	_ =	shalt  }
0x4e: {  	_ =	shalt  }
0x4f: {  	_ =	shalt  }
0x50: {  	_ =	shalt  }
0x51: {  	_ =	shalt  }
0x52: {  	_ =	shalt  }
0x53: {  	_ =	shalt  }
0x54: {  	_ =	shalt  }
0x55: {  	_ =	shalt  }
0x56: {  	_ =	shalt  }
0x57: {  	_ =	shalt  }
0x58: {  	_ =	shalt  }
0x59: {  	_ =	shalt  }
0x5a: {  	_ =	shalt  }
0x5b: {  	_ =	shalt  }
0x5c: {  	_ =	shalt  }
0x5d: {  	_ =	shalt  }
0x5e: {  	_ =	shalt  }
0x5f: {  	_ =	shalt  }
0x60: {  	_ =	shalt  }
0x61: {  	_ =	shalt  }
0x62: {  	_ =	shalt  }
0x63: {  	_ =	shalt  }
0x64: {  	_ =	shalt  }
0x65: {  	_ =	shalt  }
0x66: {  	_ =	shalt  }
0x67: {  	_ =	shalt  }
0x68: {  	_ =	shalt  }
0x69: {  	_ =	shalt  }
0x6a: {  	_ =	shalt  }
0x6b: {  	_ =	shalt  }
0x6c: {  	_ =	shalt  }
0x6d: {  	_ =	shalt  }
0x6e: {  	_ =	shalt  }
0x6f: {  	_ =	shalt  }
0x70: {  	_ =	shalt  }
0x71: {  	_ =	shalt  }
0x72: {  	_ =	shalt  }
0x73: {  	_ =	shalt  }
0x74: {  	_ =	shalt  }
0x75: {  	_ =	shalt  }
0x76: {  	_ =	shalt  }
0x77: {  	_ =	shalt  }
0x78: {  	_ =	shalt  }
0x79: {  	_ =	shalt  }
0x7a: {  	_ =	shalt  }
0x7b: {  	_ =	shalt  }
0x7c: {  	_ =	shalt  }
0x7d: {  	_ =	shalt  }
0x7e: {  	_ =	shalt  }
0x7f: {  	_ =	shalt  }
0x80: {  	_ =	shalt  }
0x81: {  	_ =	shalt  }
0x82: {  	_ =	shalt  }
0x83: {  	_ =	shalt  }
0x84: {  	_ =	shalt  }
0x85: {  	_ =	shalt  }
0x86: {  	_ =	shalt  }
0x87: {  	_ =	shalt  }
.Lfunc_end0:
.L_simem_size_0:
called_computation_lowered:
.L_overlay_start_0:
0x88: {  	s2 =	sld [smem:$0x3FD9]  }
0x89: {  	s3 =	sld [smem:$0x3FFE];
	_ =	sdelay $0x1  }
0x8a: {  	s1 =	srdreg.scid  }
0x8b: {  	s0 =	sand.u32 $0x1, s1  }
0x8c: {  	s15 =	sshll.u32 s0, $0xA;
	s2 =	sadd.s32 s3, s2  }
0x8d: {  	s2 =	sadd.s32 s2, s15  }
0x8e: {  	[smem:$0x3FC7] =	sst s2  }
0x8f: {  	_ = 	snop  }
0x90: {  	s2 =	sld [smem:$0x3FD0];
	_ =	sdelay $0x2  }
0x91: {  	s4 =	simm.s32 $0xA;
	s5 =	simm.s32 $0x10;
	s16 =	sld [smem:$0x3FC9]  }
0x92: {  	[smem:s5], [sflag:s4] =	dma.local [hbm:s2], $0x1  }
0x93: {  	_ =	swait.eq [sflag:s4], $0x1  }
0x94: {  	[sflag:s4] =	ssyncset.done $0x0  }
0x95: {  	[sflag:s4] =	ssyncadd.s32 $0xFFFFFFFF  }
0x96: {  	s17 =	sld [smem:$0x11];
	(tm) =	ssettm $0x1  }
0x97: {  	s18 =	sld [smem:$0x3FFB];
	_ =	sdelay $0x3  }
0x98: {  	_ =	strace s18  }
0x99: {  	s4 =	sld [smem:$0x3FFC];
	_ =	sdelay $0x3  }
0x9a: {  	_ =	strace s4  }
0x9b: {  	s4 =	sld [smem:$0x3FFD];
	_ =	sdelay $0x3  }
0x9c: {  	_ =	strace s4  }
0x9d: {  	_ =	strace $0x8FFFFFFF  }
0x9e: {  	s19 =	sld [smem:$0x3FDB];
	_ =	sdelay $0x1  }
0x9f: {  	s20 =	simm.s32 $_scs_section_size  }
0xa0: {  	s6 =	simm.s32 $_size__tile_overlayer_lowered;
	s7 =	simm.s32 $_tile_overlayer_lowered  }
0xa1: {  	s23 =	simm.s32 $0x1BFF;
	s22 =	sshll.u32 s7, $0x1;
	s4 =	sadd.s32 s20, s19  }
0xa2: {  	s8 =	simm.s32 $0x0;
	s21 =	sshll.u32 s6, $0x1;
	s6 =	sadd.s32 s22, s4  }
0xa3: {  	[timem:s8], [sflag:s23] =	dma.local [hbm:s6], s21  }
0xa4: {  	_ =	swait.ge [sflag:s23], s21  }
0xa5: {  	s5 =	ssub.s32 $0x0, s21;
	[sflag:s23] =	ssyncset.done $0x0  }
0xa6: {  	[sflag:s23] =	ssyncadd.s32 s5;
	_ =	sdelay $0x1  }
0xa7: {  	s24 =	simm.s32 $0x1B8B  }
0xa8: {  	_ =	swait.ge [sflag:s24], $0x1  }
0xa9: {  	[sflag:s24] =	ssyncset.done $0x0  }
0xaa: {  	s25 =	simm.s32 $0x1B8E;
	[sflag:s24] =	ssyncadd.s32 $0xFFFFFFFF  }
0xab: {  	s26 =	simm.s32 $execute0_lowered;
	[smem:$0x3FD2] =	sst s25  }
0xac: {  	s5 =	sshll.u32 s26, $0x1;
	_ =	strace $0x80000046;
	[dreg:$0x1] =	wrdreg $0xFFFFFFFF  }
0xad: {  	s28 =	simm.s32 $_size_execute0_lowered;
	s4 =	sadd.s32 s4, s5;
	[dreg:$0x0] =	wrdreg $0x0  }
0xae: {  	s5 =	sshll.u32 s28, $0x1;
	[dreg:$0x2] =	wrdreg s4  }
0xaf: {  	[dreg:$0x3] =	wrdreg s5  }
0xb0: {  	[dreg:$0x4] =	wrdreg $0xC0  }
0xb1: {  	_ =	task [dreg:s8], $0x5FFFF  }
0xb2: {  	[dreg:$0x1] =	wrdreg $0xFFFFFFFF  }
0xb3: {  	[dreg:$0x0] =	wrdreg $0x60  }
0xb4: {  	[dreg:$0x2] =	wrdreg s16  }
0xb5: {  	[dreg:$0x3] =	wrdreg s17  }
0xb6: {  	[dreg:$0x4] =	wrdreg $0x9  }
0xb7: {  	_ =	task.clear_ibuf [dreg:s8], $0x5FFFF;
	_ =	strace $0x90000046  }
0xb8: {  	s29 =	simm.s32 $0x9;
	_ =	strace $0x80000048  }
0xb9: {  	_ =	swait.ge [sflag:s29], $0x1  }
0xba: {  	[sflag:s29] =	ssyncadd.s32 $0xFFFFFFFF  }
0xbb: {  	_ =	strace $0x90000048  }
0xbc: {  	_ =	sfence  }
0xbd: {  	s30 =	sld [smem:$0x0];
	_ =	sdelay $0x2  }
0xbe: {  	s31 =	sshll.u32 s1, $0xD;
	s1 =	sshrl.u32 s1, $0x2  }
0xbf: {  	s3 =	sand.u32 $0x4000, s31;
	s1 =	sadd.s32 s1, s30  }
0xc0: {  	s0 =	sor.u32 s3, s0;
	s1 =	sshll.u32 s1, $0x11  }
0xc1: {  	s0 =	sor.u32 s1, s0  }
0xc2: {  	s0 =	sadd.s32 $0x8F2B, s0  }
0xc3: {  	[sflag:s0] =	ssyncadd.remote.s32 $0x1  }
0xc4: {  	_ =	sfence.sel $0xFFFF  }
0xc5: {  	[dreg:$0x0] =	wrdreg $0xFFFFFFFF;
	(pc) =	sbr.abs _section_cstart, $3  }
0xc6: {  	[dreg:$0x1] =	wrdreg $0xFFFFFFFF  }
0xc7: {  	_ =	task.clear_ibuf [dreg:s8], $0x2FFFF;
	_ =	strace $0x9FFFFFFF  }
0xc8: {  	(tm) =	ssettm $0x7FFFFFFF  }
0xc9: {  	_ =	shalt  }
tec
execute0_lowered:
.L_overlay_start_1:
0x0: {  	(tag) =	ssettag $0x1  }
0x1: {  	s1 =	srdreg.scid  }
0x2: {  	s0 =	stileid.u32;
	s1 =	sand.u32 $0x1, s1  }
0x3: {  	s5 =	sshll.u32 s0, $0x11;
	s6 =	sshll.u32 s1, $0x10  }
0x4: {  	s3 =	rddreg [dreg:$0x0];
	s5 =	sor.u32 s6, s5  }
0x5: {  	s4 =	rddreg [dreg:$0x1];
	s2 =	simm.s32 $0x0;
	s29 =	sadd.s32 s5, s3  }
0x6: {  	[smem:$0x7FF] =	sst s2;
	s3 =	sadd.s32 $0x200000, s29  }
0x7: {  	_ =	strace $0x80000047;
	s9 =	sadd.s32 $0x201000, s29;
	[dreg:$0x3] =	wrdreg s3  }
0x8: {  	s10 =	sadd.s32 s4, s5;
	s14 =	sadd.s32 $0x202000, s29;
	[dreg:$0x4] =	wrdreg s9  }
0x9: {  	s15 =	sadd.s32 $0x1000, s10;
	[dreg:$0x5] =	wrdreg s14  }
0xa: {  	s16 =	sadd.s32 $0x203000, s29;
	[dreg:$0x6] =	wrdreg s15  }
0xb: {  	s17 =	sadd.s32 $0x2000, s10;
	[dreg:$0x7] =	wrdreg s16  }
0xc: {  	s18 =	sadd.s32 $0x204000, s29;
	[dreg:$0x8] =	wrdreg s17  }
0xd: {  	s19 =	sadd.s32 $0x3000, s10;
	[dreg:$0x9] =	wrdreg s18  }
0xe: {  	s21 =	sadd.s32 $0x205000, s29;
	[dreg:$0xa] =	wrdreg s19  }
0xf: {  	[dreg:$0xb] =	wrdreg s21  }
0x10: {  	s20 =	rddreg [dreg:$0x3]  }
0x11: {  	[tilespmem:s2], [sflag:$0x1] =	stream.linear.gather [hbm4b:s20+s2], $0x8000, $0x38;
	[tilespmem:$0x10000] =	vst v63  }
0x12: {  	s4 =	simm.s32 $0x8000;
	s5 =	simm.s32 $0x1;
	s22 =	rddreg [dreg:$0x4]  }
0x13: {  	[tilespmem:s4], [sflag:$0x2] =	stream.linear.gather [hbm4b:s22+s2], $0x8000, $0x38;
	[tilespmem:$0x10000] =	vst v63  }
0x14: {  	_ =	swait.ge [sflag:s5], $0x8000  }
0x15: {  	[sflag:s5] =	ssyncset.done $0x0  }
0x16: {  	s6 =	simm.s32 $0x3;
	[sflag:s5] =	ssyncadd.s32 $0xFFFF8000  }
0x17: {  	[hbm4b:s10+s2] =	stream.linear.scatter [tilespmem:s2], [sflag:$0x3], $0x8000, $0x38;
	[tilespmem:$0x10000] =	vst v63  }
0x18: {  	_ =	swait.ge [sflag:s6], $0x8000  }
0x19: {  	[sflag:s6] =	ssyncset.done $0x0  }
0x1a: {  	s7 =	simm.s32 $0x2;
	s8 =	rddreg [dreg:$0x5];
	[sflag:s6] =	ssyncadd.s32 $0xFFFF8000  }
0x1b: {  	[tilespmem:s2], [sflag:$0x1] =	stream.linear.gather [hbm4b:s8+s2], $0x8000, $0x38;
	[tilespmem:$0x10000] =	vst v63  }
0x1c: {  	_ =	swait.ge [sflag:s7], $0x8000  }
0x1d: {  	[sflag:s7] =	ssyncset.done $0x0  }
0x1e: {  	s8 =	simm.s32 $0x4;
	s9 =	rddreg [dreg:$0x6];
	[sflag:s7] =	ssyncadd.s32 $0xFFFF8000  }
0x1f: {  	[hbm4b:s9+s2] =	stream.linear.scatter [tilespmem:s4], [sflag:$0x4], $0x8000, $0x38;
	[tilespmem:$0x10000] =	vst v63  }
0x20: {  	_ =	swait.ge [sflag:s8], $0x8000  }
0x21: {  	[sflag:s8] =	ssyncset.done $0x0  }
0x22: {  	s23 =	rddreg [dreg:$0x7];
	[sflag:s8] =	ssyncadd.s32 $0xFFFF8000  }
0x23: {  	[tilespmem:s4], [sflag:$0x2] =	stream.linear.gather [hbm4b:s23+s2], $0x8000, $0x38;
	[tilespmem:$0x10000] =	vst v63  }
0x24: {  	_ =	swait.ge [sflag:s5], $0x8000  }
0x25: {  	[sflag:s5] =	ssyncset.done $0x0  }
0x26: {  	s24 =	rddreg [dreg:$0x8];
	[sflag:s5] =	ssyncadd.s32 $0xFFFF8000  }
0x27: {  	[hbm4b:s24+s2] =	stream.linear.scatter [tilespmem:s2], [sflag:$0x3], $0x8000, $0x38;
	[tilespmem:$0x10000] =	vst v63  }
0x28: {  	_ =	swait.ge [sflag:s6], $0x8000  }
0x29: {  	[sflag:s6] =	ssyncset.done $0x0  }
0x2a: {  	s25 =	rddreg [dreg:$0x9];
	[sflag:s6] =	ssyncadd.s32 $0xFFFF8000  }
0x2b: {  	[tilespmem:s2], [sflag:$0x1] =	stream.linear.gather [hbm4b:s25+s2], $0x8000, $0x38;
	[tilespmem:$0x10000] =	vst v63  }
0x2c: {  	_ =	swait.ge [sflag:s7], $0x8000  }
0x2d: {  	[sflag:s7] =	ssyncset.done $0x0  }
0x2e: {  	s26 =	rddreg [dreg:$0xa];
	[sflag:s7] =	ssyncadd.s32 $0xFFFF8000  }
0x2f: {  	[hbm4b:s26+s2] =	stream.linear.scatter [tilespmem:s4], [sflag:$0x4], $0x8000, $0x38;
	[tilespmem:$0x10000] =	vst v63  }
0x30: {  	_ =	swait.ge [sflag:s8], $0x8000  }
0x31: {  	[sflag:s8] =	ssyncset.done $0x0  }
0x32: {  	s3 =	rddreg [dreg:$0xb];
	[sflag:s8] =	ssyncadd.s32 $0xFFFF8000  }
0x33: {  	[tilespmem:s4], [sflag:$0x2] =	stream.linear.gather [hbm4b:s3+s2], $0x8000, $0x38;
	[tilespmem:$0x10000] =	vst v63  }
0x34: {  	_ =	swait.ge [sflag:s5], $0x8000  }
0x35: {  	s9 =	sadd.s32 $0x4000, s10;
	[sflag:s5] =	ssyncset.done $0x0  }
0x36: {  	[dreg:$0xc] =	wrdreg s9;
	[sflag:s5] =	ssyncadd.s32 $0xFFFF8000  }
0x37: {  	[hbm4b:s9+s2] =	stream.linear.scatter [tilespmem:s2], [sflag:$0x3], $0x8000, $0x38;
	[tilespmem:$0x10000] =	vst v63  }
0x38: {  	_ =	swait.ge [sflag:s6], $0x8000  }
0x39: {  	[sflag:s6] =	ssyncset.done $0x0  }
0x3a: {  	s3 =	sadd.s32 $0x206000, s29;
	[sflag:s6] =	ssyncadd.s32 $0xFFFF8000  }
0x3b: {  	[tilespmem:s2], [sflag:$0x1] =	stream.linear.gather [hbm4b:s3+s2], $0x8000, $0x38;
	[tilespmem:$0x10000] =	vst v63  }
0x3c: {  	_ =	swait.ge [sflag:s7], $0x8000  }
0x3d: {  	[sflag:s7] =	ssyncset.done $0x0  }
0x3e: {  	s11 =	sadd.s32 $0x5000, s10;
	[sflag:s7] =	ssyncadd.s32 $0xFFFF8000  }
0x3f: {  	[hbm4b:s11+s2] =	stream.linear.scatter [tilespmem:s4], [sflag:$0x4], $0x8000, $0x38;
	[tilespmem:$0x10000] =	vst v63  }
0x40: {  	_ =	swait.ge [sflag:s8], $0x8000  }
0x41: {  	[sflag:s8] =	ssyncset.done $0x0  }
0x42: {  	s12 =	sadd.s32 $0x207000, s29;
	[sflag:s8] =	ssyncadd.s32 $0xFFFF8000  }
0x43: {  	[tilespmem:s4], [sflag:$0x2] =	stream.linear.gather [hbm4b:s12+s2], $0x8000, $0x38;
	[tilespmem:$0x10000] =	vst v63  }
0x44: {  	_ =	swait.ge [sflag:s5], $0x8000  }
0x45: {  	[sflag:s5] =	ssyncset.done $0x0  }
0x46: {  	s13 =	sadd.s32 $0x6000, s10;
	[sflag:s5] =	ssyncadd.s32 $0xFFFF8000  }
0x47: {  	[hbm4b:s13+s2] =	stream.linear.scatter [tilespmem:s2], [sflag:$0x3], $0x8000, $0x38;
	[tilespmem:$0x10000] =	vst v63  }
0x48: {  	_ =	swait.ge [sflag:s6], $0x8000  }
0x49: {  	[sflag:s6] =	ssyncset.done $0x0  }
0x4a: {  	s14 =	sadd.s32 $0x208000, s29;
	[sflag:s6] =	ssyncadd.s32 $0xFFFF8000  }
0x4b: {  	[tilespmem:s2], [sflag:$0x1] =	stream.linear.gather [hbm4b:s14+s2], $0x8000, $0x38;
	[tilespmem:$0x10000] =	vst v63  }
0x4c: {  	_ =	swait.ge [sflag:s7], $0x8000  }
0x4d: {  	[sflag:s7] =	ssyncset.done $0x0  }
0x4e: {  	s15 =	sadd.s32 $0x7000, s10;
	[sflag:s7] =	ssyncadd.s32 $0xFFFF8000  }
0x4f: {  	[hbm4b:s15+s2] =	stream.linear.scatter [tilespmem:s4], [sflag:$0x4], $0x8000, $0x38;
	[tilespmem:$0x10000] =	vst v63  }
0x50: {  	_ =	swait.ge [sflag:s8], $0x8000  }
0x51: {  	[sflag:s8] =	ssyncset.done $0x0  }
0x52: {  	s16 =	sadd.s32 $0x209000, s29;
	[sflag:s8] =	ssyncadd.s32 $0xFFFF8000  }
0x53: {  	[tilespmem:s4], [sflag:$0x2] =	stream.linear.gather [hbm4b:s16+s2], $0x8000, $0x38;
	[tilespmem:$0x10000] =	vst v63  }
0x54: {  	_ =	swait.ge [sflag:s5], $0x8000  }
0x55: {  	[sflag:s5] =	ssyncset.done $0x0  }
0x56: {  	s17 =	sadd.s32 $0x8000, s10;
	[sflag:s5] =	ssyncadd.s32 $0xFFFF8000  }
0x57: {  	[hbm4b:s17+s2] =	stream.linear.scatter [tilespmem:s2], [sflag:$0x3], $0x8000, $0x38;
	[tilespmem:$0x10000] =	vst v63  }
0x58: {  	_ =	swait.ge [sflag:s6], $0x8000  }
0x59: {  	[sflag:s6] =	ssyncset.done $0x0  }
0x5a: {  	s18 =	sadd.s32 $0x20A000, s29;
	[sflag:s6] =	ssyncadd.s32 $0xFFFF8000  }
0x5b: {  	[tilespmem:s2], [sflag:$0x1] =	stream.linear.gather [hbm4b:s18+s2], $0x8000, $0x38;
	[tilespmem:$0x10000] =	vst v63  }
0x5c: {  	_ =	swait.ge [sflag:s7], $0x8000  }
0x5d: {  	[sflag:s7] =	ssyncset.done $0x0  }
0x5e: {  	s19 =	sadd.s32 $0x9000, s10;
	[sflag:s7] =	ssyncadd.s32 $0xFFFF8000  }
0x5f: {  	[hbm4b:s19+s2] =	stream.linear.scatter [tilespmem:s4], [sflag:$0x4], $0x8000, $0x38;
	[tilespmem:$0x10000] =	vst v63  }
0x60: {  	_ =	swait.ge [sflag:s8], $0x8000  }
0x61: {  	[sflag:s8] =	ssyncset.done $0x0  }
0x62: {  	s20 =	sadd.s32 $0x20B000, s29;
	[sflag:s8] =	ssyncadd.s32 $0xFFFF8000  }
0x63: {  	[tilespmem:s4], [sflag:$0x2] =	stream.linear.gather [hbm4b:s20+s2], $0x8000, $0x38;
	[tilespmem:$0x10000] =	vst v63  }
0x64: {  	_ =	swait.ge [sflag:s5], $0x8000  }
0x65: {  	[sflag:s5] =	ssyncset.done $0x0  }
0x66: {  	s21 =	sadd.s32 $0xA000, s10;
	[sflag:s5] =	ssyncadd.s32 $0xFFFF8000  }
0x67: {  	[hbm4b:s21+s2] =	stream.linear.scatter [tilespmem:s2], [sflag:$0x3], $0x8000, $0x38;
	[tilespmem:$0x10000] =	vst v63  }
0x68: {  	_ =	swait.ge [sflag:s6], $0x8000  }
0x69: {  	[sflag:s6] =	ssyncset.done $0x0  }
0x6a: {  	s22 =	sadd.s32 $0x20C000, s29;
	[sflag:s6] =	ssyncadd.s32 $0xFFFF8000  }
0x6b: {  	[tilespmem:s2], [sflag:$0x1] =	stream.linear.gather [hbm4b:s22+s2], $0x8000, $0x38;
	[tilespmem:$0x10000] =	vst v63  }
0x6c: {  	_ =	swait.ge [sflag:s7], $0x8000  }
0x6d: {  	[sflag:s7] =	ssyncset.done $0x0  }
0x6e: {  	s23 =	sadd.s32 $0xB000, s10;
	[sflag:s7] =	ssyncadd.s32 $0xFFFF8000  }
0x6f: {  	[hbm4b:s23+s2] =	stream.linear.scatter [tilespmem:s4], [sflag:$0x4], $0x8000, $0x38;
	[tilespmem:$0x10000] =	vst v63  }
0x70: {  	_ =	swait.ge [sflag:s8], $0x8000  }
0x71: {  	[sflag:s8] =	ssyncset.done $0x0  }
0x72: {  	s24 =	sadd.s32 $0x20D000, s29;
	[sflag:s8] =	ssyncadd.s32 $0xFFFF8000  }
0x73: {  	[tilespmem:s4], [sflag:$0x2] =	stream.linear.gather [hbm4b:s24+s2], $0x8000, $0x38;
	[tilespmem:$0x10000] =	vst v63  }
0x74: {  	_ =	swait.ge [sflag:s5], $0x8000  }
0x75: {  	[sflag:s5] =	ssyncset.done $0x0  }
0x76: {  	s25 =	sadd.s32 $0xC000, s10;
	[sflag:s5] =	ssyncadd.s32 $0xFFFF8000  }
0x77: {  	[hbm4b:s25+s2] =	stream.linear.scatter [tilespmem:s2], [sflag:$0x3], $0x8000, $0x38;
	[tilespmem:$0x10000] =	vst v63  }
0x78: {  	_ =	swait.ge [sflag:s6], $0x8000  }
0x79: {  	[sflag:s6] =	ssyncset.done $0x0  }
0x7a: {  	s26 =	sadd.s32 $0x20E000, s29;
	[sflag:s6] =	ssyncadd.s32 $0xFFFF8000  }
0x7b: {  	[tilespmem:s2], [sflag:$0x1] =	stream.linear.gather [hbm4b:s26+s2], $0x8000, $0x38;
	[tilespmem:$0x10000] =	vst v63  }
0x7c: {  	_ =	swait.ge [sflag:s7], $0x8000  }
0x7d: {  	[sflag:s7] =	ssyncset.done $0x0  }
0x7e: {  	s28 =	sadd.s32 $0xD000, s10;
	[sflag:s7] =	ssyncadd.s32 $0xFFFF8000  }
0x7f: {  	[hbm4b:s28+s2] =	stream.linear.scatter [tilespmem:s4], [sflag:$0x4], $0x8000, $0x38;
	[tilespmem:$0x10000] =	vst v63  }
0x80: {  	_ =	swait.ge [sflag:s8], $0x8000  }
0x81: {  	[sflag:s8] =	ssyncset.done $0x0  }
0x82: {  	s29 =	sadd.s32 $0x20F000, s29;
	[sflag:s8] =	ssyncadd.s32 $0xFFFF8000  }
0x83: {  	[tilespmem:s4], [sflag:$0x2] =	stream.linear.gather [hbm4b:s29+s2], $0x8000, $0x38;
	[tilespmem:$0x10000] =	vst v63  }
0x84: {  	s1 =	ssub.s32 $0x2, s1;
	_ =	swait.ge [sflag:s5], $0x8000  }
0x85: {  	s30 =	sadd.s32 $0xE000, s10;
	s31 =	sadd.s32 $0xF000, s10;
	[sflag:s5] =	ssyncset.done $0x0  }
0x86: {  	s9 =	smov.u32 s10;
	s10 =	sshrl.u32 s1, $0x1;
	[sflag:s5] =	ssyncadd.s32 $0xFFFF8000  }
0x87: {  	[hbm4b:s30+s2] =	stream.linear.scatter [tilespmem:s2], [sflag:$0x3], $0x8000, $0x38;
	[tilespmem:$0x10000] =	vst v63  }
0x88: {  	s0 =	ssub.s32 s1, s10;
	_ =	swait.ge [sflag:s7], $0x8000  }
0x89: {  	s0 =	smax.u32 s0, $0x1;
	[sflag:s7] =	ssyncset.done $0x0  }
0x8a: {  	p0 =	sne.s32 s0, $0x1;
	[sflag:s7] =	ssyncadd.s32 $0xFFFF8000  }
0x8b: {  	[hbm4b:s31+s2] =	stream.linear.scatter [tilespmem:s4], [sflag:$0x4], $0x8000, $0x38;
	[tilespmem:$0x10000] =	vst v63  }
.Ltmp0:
0x8c: {  	_ =	swait.ge [sflag:s6], $0x8000;
	(pc) =	sbr.rel @!p0 .LBB2_3-.Ltmp0, $4  }
0x8d: {  	[sflag:s6] =	ssyncset.done $0x0  }
0x8e: {  	[sflag:s6] =	ssyncadd.s32 $0xFFFF8000  }
0x8f: {  	_ =	swait.ge [sflag:s8], $0x8000  }
0x90: {  	s1 =	sadd.s32 $0xFFFFFFFF, s0;
	[sflag:s8] =	ssyncset.done $0x0  }
0x91: {  	s10 =	smov.u32 s3  }
.LBB2_2:
0x92: {  	s0 =	rddreg [dreg:$0x3];
	[sflag:s8] =	ssyncadd.s32 $0xFFFF8000  }
0x93: {  	[tilespmem:s2], [sflag:$0x1] =	stream.linear.gather [hbm4b:s0+s2], $0x8000, $0x38;
	[tilespmem:$0x10000] =	vst v63  }
0x94: {  	s3 =	rddreg [dreg:$0x4]  }
0x95: {  	[tilespmem:s4], [sflag:$0x2] =	stream.linear.gather [hbm4b:s3+s2], $0x8000, $0x38;
	[tilespmem:$0x10000] =	vst v63  }
0x96: {  	_ =	swait.ge [sflag:s5], $0x8000  }
0x97: {  	[sflag:s5] =	ssyncset.done $0x0  }
0x98: {  	[sflag:s5] =	ssyncadd.s32 $0xFFFF8000  }
0x99: {  	[hbm4b:s9+s2] =	stream.linear.scatter [tilespmem:s2], [sflag:$0x3], $0x8000, $0x38;
	[tilespmem:$0x10000] =	vst v63  }
0x9a: {  	_ =	swait.ge [sflag:s6], $0x8000  }
0x9b: {  	[sflag:s6] =	ssyncset.done $0x0  }
0x9c: {  	s3 =	rddreg [dreg:$0x5];
	[sflag:s6] =	ssyncadd.s32 $0xFFFF8000  }
0x9d: {  	[tilespmem:s2], [sflag:$0x1] =	stream.linear.gather [hbm4b:s3+s2], $0x8000, $0x38;
	[tilespmem:$0x10000] =	vst v63  }
0x9e: {  	_ =	swait.ge [sflag:s7], $0x8000  }
0x9f: {  	[sflag:s7] =	ssyncset.done $0x0  }
0xa0: {  	s3 =	rddreg [dreg:$0x6];
	[sflag:s7] =	ssyncadd.s32 $0xFFFF8000  }
0xa1: {  	[hbm4b:s3+s2] =	stream.linear.scatter [tilespmem:s4], [sflag:$0x4], $0x8000, $0x38;
	[tilespmem:$0x10000] =	vst v63  }
0xa2: {  	_ =	swait.ge [sflag:s8], $0x8000  }
0xa3: {  	[sflag:s8] =	ssyncset.done $0x0  }
0xa4: {  	s3 =	rddreg [dreg:$0x7];
	[sflag:s8] =	ssyncadd.s32 $0xFFFF8000  }
0xa5: {  	[tilespmem:s4], [sflag:$0x2] =	stream.linear.gather [hbm4b:s3+s2], $0x8000, $0x38;
	[tilespmem:$0x10000] =	vst v63  }
0xa6: {  	_ =	swait.ge [sflag:s5], $0x8000  }
0xa7: {  	[sflag:s5] =	ssyncset.done $0x0  }
0xa8: {  	s3 =	rddreg [dreg:$0x8];
	[sflag:s5] =	ssyncadd.s32 $0xFFFF8000  }
0xa9: {  	[hbm4b:s3+s2] =	stream.linear.scatter [tilespmem:s2], [sflag:$0x3], $0x8000, $0x38;
	[tilespmem:$0x10000] =	vst v63  }
0xaa: {  	_ =	swait.ge [sflag:s6], $0x8000  }
0xab: {  	[sflag:s6] =	ssyncset.done $0x0  }
0xac: {  	s3 =	rddreg [dreg:$0x9];
	[sflag:s6] =	ssyncadd.s32 $0xFFFF8000  }
0xad: {  	[tilespmem:s2], [sflag:$0x1] =	stream.linear.gather [hbm4b:s3+s2], $0x8000, $0x38;
	[tilespmem:$0x10000] =	vst v63  }
0xae: {  	_ =	swait.ge [sflag:s7], $0x8000  }
0xaf: {  	[sflag:s7] =	ssyncset.done $0x0  }
0xb0: {  	s3 =	rddreg [dreg:$0xa];
	[sflag:s7] =	ssyncadd.s32 $0xFFFF8000  }
0xb1: {  	[hbm4b:s3+s2] =	stream.linear.scatter [tilespmem:s4], [sflag:$0x4], $0x8000, $0x38;
	[tilespmem:$0x10000] =	vst v63  }
0xb2: {  	_ =	swait.ge [sflag:s8], $0x8000  }
0xb3: {  	[sflag:s8] =	ssyncset.done $0x0  }
0xb4: {  	s3 =	rddreg [dreg:$0xb];
	[sflag:s8] =	ssyncadd.s32 $0xFFFF8000  }
0xb5: {  	[tilespmem:s4], [sflag:$0x2] =	stream.linear.gather [hbm4b:s3+s2], $0x8000, $0x38;
	[tilespmem:$0x10000] =	vst v63  }
0xb6: {  	_ =	swait.ge [sflag:s5], $0x8000  }
0xb7: {  	[sflag:s5] =	ssyncset.done $0x0  }
0xb8: {  	s3 =	rddreg [dreg:$0xc];
	[sflag:s5] =	ssyncadd.s32 $0xFFFF8000  }
0xb9: {  	[hbm4b:s3+s2] =	stream.linear.scatter [tilespmem:s2], [sflag:$0x3], $0x8000, $0x38;
	[tilespmem:$0x10000] =	vst v63  }
0xba: {  	_ =	swait.ge [sflag:s6], $0x8000  }
0xbb: {  	[sflag:s6] =	ssyncset.done $0x0  }
0xbc: {  	[sflag:s6] =	ssyncadd.s32 $0xFFFF8000  }
0xbd: {  	[tilespmem:s2], [sflag:$0x1] =	stream.linear.gather [hbm4b:s10+s2], $0x8000, $0x38;
	[tilespmem:$0x10000] =	vst v63  }
0xbe: {  	_ =	swait.ge [sflag:s7], $0x8000  }
0xbf: {  	[sflag:s7] =	ssyncset.done $0x0  }
0xc0: {  	[sflag:s7] =	ssyncadd.s32 $0xFFFF8000  }
0xc1: {  	[hbm4b:s11+s2] =	stream.linear.scatter [tilespmem:s4], [sflag:$0x4], $0x8000, $0x38;
	[tilespmem:$0x10000] =	vst v63  }
0xc2: {  	_ =	swait.ge [sflag:s8], $0x8000  }
0xc3: {  	[sflag:s8] =	ssyncset.done $0x0  }
0xc4: {  	[sflag:s8] =	ssyncadd.s32 $0xFFFF8000  }
0xc5: {  	[tilespmem:s4], [sflag:$0x2] =	stream.linear.gather [hbm4b:s12+s2], $0x8000, $0x38;
	[tilespmem:$0x10000] =	vst v63  }
0xc6: {  	_ =	swait.ge [sflag:s5], $0x8000  }
0xc7: {  	[sflag:s5] =	ssyncset.done $0x0  }
0xc8: {  	[sflag:s5] =	ssyncadd.s32 $0xFFFF8000  }
0xc9: {  	[hbm4b:s13+s2] =	stream.linear.scatter [tilespmem:s2], [sflag:$0x3], $0x8000, $0x38;
	[tilespmem:$0x10000] =	vst v63  }
0xca: {  	_ =	swait.ge [sflag:s6], $0x8000  }
0xcb: {  	[sflag:s6] =	ssyncset.done $0x0  }
0xcc: {  	[sflag:s6] =	ssyncadd.s32 $0xFFFF8000  }
0xcd: {  	[tilespmem:s2], [sflag:$0x1] =	stream.linear.gather [hbm4b:s14+s2], $0x8000, $0x38;
	[tilespmem:$0x10000] =	vst v63  }
0xce: {  	_ =	swait.ge [sflag:s7], $0x8000  }
0xcf: {  	[sflag:s7] =	ssyncset.done $0x0  }
0xd0: {  	[sflag:s7] =	ssyncadd.s32 $0xFFFF8000  }
0xd1: {  	[hbm4b:s15+s2] =	stream.linear.scatter [tilespmem:s4], [sflag:$0x4], $0x8000, $0x38;
	[tilespmem:$0x10000] =	vst v63  }
0xd2: {  	_ =	swait.ge [sflag:s8], $0x8000  }
0xd3: {  	[sflag:s8] =	ssyncset.done $0x0  }
0xd4: {  	[sflag:s8] =	ssyncadd.s32 $0xFFFF8000  }
0xd5: {  	[tilespmem:s4], [sflag:$0x2] =	stream.linear.gather [hbm4b:s16+s2], $0x8000, $0x38;
	[tilespmem:$0x10000] =	vst v63  }
0xd6: {  	_ =	swait.ge [sflag:s5], $0x8000  }
0xd7: {  	[sflag:s5] =	ssyncset.done $0x0  }
0xd8: {  	[sflag:s5] =	ssyncadd.s32 $0xFFFF8000  }
0xd9: {  	[hbm4b:s17+s2] =	stream.linear.scatter [tilespmem:s2], [sflag:$0x3], $0x8000, $0x38;
	[tilespmem:$0x10000] =	vst v63  }
0xda: {  	_ =	swait.ge [sflag:s6], $0x8000  }
0xdb: {  	[sflag:s6] =	ssyncset.done $0x0  }
0xdc: {  	[sflag:s6] =	ssyncadd.s32 $0xFFFF8000  }
0xdd: {  	[tilespmem:s2], [sflag:$0x1] =	stream.linear.gather [hbm4b:s18+s2], $0x8000, $0x38;
	[tilespmem:$0x10000] =	vst v63  }
0xde: {  	_ =	swait.ge [sflag:s7], $0x8000  }
0xdf: {  	[sflag:s7] =	ssyncset.done $0x0  }
0xe0: {  	[sflag:s7] =	ssyncadd.s32 $0xFFFF8000  }
0xe1: {  	[hbm4b:s19+s2] =	stream.linear.scatter [tilespmem:s4], [sflag:$0x4], $0x8000, $0x38;
	[tilespmem:$0x10000] =	vst v63  }
0xe2: {  	_ =	swait.ge [sflag:s8], $0x8000  }
0xe3: {  	[sflag:s8] =	ssyncset.done $0x0  }
0xe4: {  	[sflag:s8] =	ssyncadd.s32 $0xFFFF8000  }
0xe5: {  	[tilespmem:s4], [sflag:$0x2] =	stream.linear.gather [hbm4b:s20+s2], $0x8000, $0x38;
	[tilespmem:$0x10000] =	vst v63  }
0xe6: {  	_ =	swait.ge [sflag:s5], $0x8000  }
0xe7: {  	[sflag:s5] =	ssyncset.done $0x0  }
0xe8: {  	[sflag:s5] =	ssyncadd.s32 $0xFFFF8000  }
0xe9: {  	[hbm4b:s21+s2] =	stream.linear.scatter [tilespmem:s2], [sflag:$0x3], $0x8000, $0x38;
	[tilespmem:$0x10000] =	vst v63  }
0xea: {  	_ =	swait.ge [sflag:s6], $0x8000  }
0xeb: {  	[sflag:s6] =	ssyncset.done $0x0  }
0xec: {  	[sflag:s6] =	ssyncadd.s32 $0xFFFF8000  }
0xed: {  	[tilespmem:s2], [sflag:$0x1] =	stream.linear.gather [hbm4b:s22+s2], $0x8000, $0x38;
	[tilespmem:$0x10000] =	vst v63  }
0xee: {  	_ =	swait.ge [sflag:s7], $0x8000  }
0xef: {  	[sflag:s7] =	ssyncset.done $0x0  }
0xf0: {  	[sflag:s7] =	ssyncadd.s32 $0xFFFF8000  }
0xf1: {  	[hbm4b:s23+s2] =	stream.linear.scatter [tilespmem:s4], [sflag:$0x4], $0x8000, $0x38;
	[tilespmem:$0x10000] =	vst v63  }
0xf2: {  	_ =	swait.ge [sflag:s8], $0x8000  }
0xf3: {  	[sflag:s8] =	ssyncset.done $0x0  }
0xf4: {  	[sflag:s8] =	ssyncadd.s32 $0xFFFF8000  }
0xf5: {  	[tilespmem:s4], [sflag:$0x2] =	stream.linear.gather [hbm4b:s24+s2], $0x8000, $0x38;
	[tilespmem:$0x10000] =	vst v63  }
0xf6: {  	_ =	swait.ge [sflag:s5], $0x8000  }
0xf7: {  	[sflag:s5] =	ssyncset.done $0x0  }
0xf8: {  	[sflag:s5] =	ssyncadd.s32 $0xFFFF8000  }
0xf9: {  	[hbm4b:s25+s2] =	stream.linear.scatter [tilespmem:s2], [sflag:$0x3], $0x8000, $0x38;
	[tilespmem:$0x10000] =	vst v63  }
0xfa: {  	_ =	swait.ge [sflag:s6], $0x8000  }
0xfb: {  	[sflag:s6] =	ssyncset.done $0x0  }
0xfc: {  	[sflag:s6] =	ssyncadd.s32 $0xFFFF8000  }
0xfd: {  	[tilespmem:s2], [sflag:$0x1] =	stream.linear.gather [hbm4b:s26+s2], $0x8000, $0x38;
	[tilespmem:$0x10000] =	vst v63  }
0xfe: {  	_ =	swait.ge [sflag:s7], $0x8000  }
0xff: {  	[sflag:s7] =	ssyncset.done $0x0  }
0x100: {  	[sflag:s7] =	ssyncadd.s32 $0xFFFF8000  }
0x101: {  	[hbm4b:s28+s2] =	stream.linear.scatter [tilespmem:s4], [sflag:$0x4], $0x8000, $0x38;
	[tilespmem:$0x10000] =	vst v63  }
0x102: {  	_ =	swait.ge [sflag:s8], $0x8000  }
0x103: {  	[sflag:s8] =	ssyncset.done $0x0  }
0x104: {  	[sflag:s8] =	ssyncadd.s32 $0xFFFF8000  }
0x105: {  	[tilespmem:s4], [sflag:$0x2] =	stream.linear.gather [hbm4b:s29+s2], $0x8000, $0x38;
	[tilespmem:$0x10000] =	vst v63  }
0x106: {  	_ =	swait.ge [sflag:s5], $0x8000  }
0x107: {  	[sflag:s5] =	ssyncset.done $0x0  }
0x108: {  	[sflag:s5] =	ssyncadd.s32 $0xFFFF8000  }
0x109: {  	[hbm4b:s30+s2] =	stream.linear.scatter [tilespmem:s2], [sflag:$0x3], $0x8000, $0x38;
	[tilespmem:$0x10000] =	vst v63  }
0x10a: {  	_ =	swait.ge [sflag:s7], $0x8000  }
0x10b: {  	[sflag:s7] =	ssyncset.done $0x0  }
0x10c: {  	p0 =	sne.s32 s1, $0x1;
	[sflag:s7] =	ssyncadd.s32 $0xFFFF8000  }
0x10d: {  	[hbm4b:s31+s2] =	stream.linear.scatter [tilespmem:s4], [sflag:$0x4], $0x8000, $0x38;
	[tilespmem:$0x10000] =	vst v63  }
.Ltmp1:
0x10e: {  	_ =	swait.ge [sflag:s6], $0x8000;
	(pc) =	sbr.rel @p0 .LBB2_2-.Ltmp1, $4  }
0x10f: {  	[sflag:s6] =	ssyncset.done $0x0  }
0x110: {  	[sflag:s6] =	ssyncadd.s32 $0xFFFF8000  }
0x111: {  	_ =	swait.ge [sflag:s8], $0x8000  }
0x112: {  	s1 =	sadd.s32 $0xFFFFFFFF, s1;
	[sflag:s8] =	ssyncset.done $0x0  }
.LBB2_3:
0x113: {  	[sflag:s8] =	ssyncadd.s32 $0xFFFF8000  }
0x114: {  	_ =	sfence.sel $0x180000  }
0x115: {  	[bflag:$0x0] =	sbarrier.arrive $0xFFFF  }
0x116: {  	_ =	strace $0x90000047  }
0x117: {  	s0 =	stileid.u32;
	[bflag:$0x2] =	sbarrier.arrive $0xFFFF  }
0x118: {  	p0 =	sne.s32 s0, $0x0;
	s0 =	rddreg [dreg:$0x2]  }
0x119: {  	s0 =	sadd.s32 @!p0 $0x100000, s0  }
0x11a: {  	[sflag:s0] =	ssyncadd.tile.s32 @!p0 $0x1;
	_ =	shalt  }
.Lfunc_end2:
_tile_overlayer_lowered:
.L_overlay_start_2:
0x11b: {  	(tag) =	ssettag $0x2  }
0x11c: {  	s0 =	rddreg [dreg:$0x0];
	s2 =	stileid.u32  }
0x11d: {  	s1 =	rddreg [dreg:$0x1];
	p0 =	sne.s32 s2, $0x0  }
0x11e: {  	s3 =	rddreg [dreg:$0x2];
	[bflag:$0x3] =	sbarrier.arrive $0xFFFF;
	s2 =	simm.s32 @!p0 $0x1C05  }
0x11f: {  	[timem:s3], [sflag:s2] =	dma.local @!p0 [hbm:s0], s1  }
0x120: {  	s0 =	simm.s32 @!p0 $0x5  }
0x121: {  	_ =	swait.ge @!p0 [sflag:s0], s1  }
0x122: {  	s1 =	ssub.s32 @!p0 $0x0, s1;
	[sflag:s0] =	ssyncset.done @!p0 $0x0  }
0x123: {  	[sflag:s0] =	ssyncadd.s32 @!p0 s1  }
0x124: {  	[bflag:$0x3] =	sbarrier.arrive $0xFFFF  }
0x125: {  	_ =	shalt  }

</sc_bundles>
